<compile_context>
chip_gen: v7x
topology: tpu7x:2x2x1
jax: 0.10.2.dev20260603
libtpu: 0.0.44.dev20260713+nightly
codegen_flags: <defaults>
</compile_context>

<pallas_src>
import functools
import math

import jax
import jax.numpy as jnp
from jax import lax
from jax.experimental import pallas as pl
from jax.experimental.pallas import tpu as pltpu
from jax.experimental.pallas import tpu_sc as plsc

VOCAB = 32768
SMOOTH = 0.1
CONF = 1.0 - SMOOTH
EPS = SMOOTH / (VOCAB - 2)
K_CONST = (VOCAB - 2) * EPS * math.log(EPS) + CONF * math.log(CONF)

N_ROWS = 4096
BLK_R = 128
BLK_V = 32768

SC_NC = 2
SC_NS = 16
SC_NW = SC_NC * SC_NS
SC_GCHUNK = N_ROWS // SC_NW


def _sc_body(xlin_hbm, tgt_hbm, out_hbm, tgt_v, idx_v, val_v, val0_v,
             stage_v, semg):
    wid = lax.axis_index("s") * SC_NC + lax.axis_index("c")
    gbase = wid * SC_GCHUNK
    pltpu.sync_copy(tgt_hbm.at[pl.ds(gbase, SC_GCHUNK)], tgt_v)
    for k in range(SC_GCHUNK // 16):
        t16 = tgt_v[pl.ds(k * 16, 16)]
        row = gbase + k * 16 + lax.iota(jnp.int32, 16)
        idx_v[pl.ds(k * 16, 16)] = (
            (row >> 3) * (VOCAB * 8) + (t16 >> 7) * 1024
            + (row & 7) * 128 + (t16 & 127))
    pltpu.async_copy(xlin_hbm.at[idx_v], val_v, semg).wait()
    for k in range(SC_GCHUNK // 16):
        row = gbase + k * 16 + lax.iota(jnp.int32, 16)
        idx_v[pl.ds(k * 16, 16)] = (row >> 3) * (VOCAB * 8) + (row & 7) * 128
    pltpu.async_copy(xlin_hbm.at[idx_v], val0_v, semg).wait()
    st = jnp.zeros((16,), jnp.float32)
    s0 = jnp.zeros((16,), jnp.float32)
    cw = jnp.zeros((16,), jnp.float32)
    for k in range(SC_GCHUNK // 16):
        t16 = tgt_v[pl.ds(k * 16, 16)]
        nz = t16 != 0
        st = st + jnp.where(nz, val_v[pl.ds(k * 16, 16)], 0.0)
        s0 = s0 + jnp.where(nz, val0_v[pl.ds(k * 16, 16)], 0.0)
        cw = cw + jnp.where(nz, 1.0, 0.0)
    stage_v[pl.ds(0, 16)] = st
    stage_v[pl.ds(16, 16)] = s0
    stage_v[pl.ds(32, 16)] = cw
    stage_v[pl.ds(48, 16)] = jnp.zeros((16,), jnp.float32)
    pltpu.sync_copy(stage_v, out_hbm.at[wid])


_sc_call = functools.partial(
    pl.kernel,
    out_type=jax.ShapeDtypeStruct((SC_NW, 64), jnp.float32),
    mesh=plsc.VectorSubcoreMesh(core_axis_name="c", subcore_axis_name="s"),
    scratch_types=[
        pltpu.VMEM((SC_GCHUNK,), jnp.int32),
        pltpu.VMEM((SC_GCHUNK,), jnp.int32),
        pltpu.VMEM((SC_GCHUNK,), jnp.float32),
        pltpu.VMEM((SC_GCHUNK,), jnp.float32),
        pltpu.VMEM((64,), jnp.float32),
        pltpu.SemaphoreType.DMA,
    ],
)(_sc_body)


def _tc_body(t_ref, x_ref, out_ref, acc_ref):
    i = pl.program_id(0)
    j = pl.program_id(1)
    ni = pl.num_programs(0)
    nj = pl.num_programs(1)

    @pl.when((i == 0) & (j == 0))
    def _init():
        acc_ref[0] = 0.0

    t = t_ref[...]
    w = (t != 0).astype(jnp.float32)
    xs = x_ref[...]
    rs = jnp.sum(xs, axis=1, keepdims=True)
    acc_ref[0] += jnp.sum(rs * w)

    @pl.when((i == ni - 1) & (j == nj - 1))
    def _fin():
        out_ref[0] = acc_ref[0]


def _combine_body(tc_ref, sc_ref, out_ref):
    blk = sc_ref[...]
    st = jnp.sum(blk[:, 0:16])
    s0 = jnp.sum(blk[:, 16:32])
    cnt = jnp.sum(blk[:, 32:48])
    out_ref[0] = (cnt * K_CONST - EPS * (tc_ref[0] - s0)
                  - (CONF - EPS) * st)


@jax.jit
def _loss(x, t32):
    x_lin = (x.reshape(N_ROWS // 8, 8, VOCAB // 128, 128)
             .transpose(0, 2, 1, 3).reshape(-1))
    sc_parts = _sc_call(x_lin, t32)

    grid = (N_ROWS // BLK_R, VOCAB // BLK_V)
    tc_part = pl.pallas_call(
        _tc_body,
        grid=grid,
        in_specs=[
            pl.BlockSpec((BLK_R, 1), lambda i, j: (i, 0)),
            pl.BlockSpec((BLK_R, BLK_V), lambda i, j: (i, j)),
        ],
        out_specs=pl.BlockSpec(memory_space=pltpu.SMEM),
        out_shape=jax.ShapeDtypeStruct((1,), jnp.float32),
        scratch_shapes=[pltpu.SMEM((1,), jnp.float32)],
    )(t32.reshape(-1, 1), x)

    res = pl.pallas_call(
        _combine_body,
        in_specs=[
            pl.BlockSpec(memory_space=pltpu.SMEM),
            pl.BlockSpec((SC_NW, 64), lambda: (0, 0)),
        ],
        out_specs=pl.BlockSpec(memory_space=pltpu.SMEM),
        out_shape=jax.ShapeDtypeStruct((1,), jnp.float32),
    )(tc_part, sc_parts)
    return res[0]


def kernel(x, target):
    return _loss(x, target.astype(jnp.int32))

# --- scband reference (transcript-rebuilt; emitter-appended) ---
"""Pipeline reference for scband-label-smoothing-27419071217918 (READ-ONLY COPY).

The authoritative reference and input builder live on the scoring server;
editing this copy changes nothing except your own understanding.
"""

import jax, jax.numpy as jnp
import numpy as np

SIZE = 32768
PADDING_IDX = 0
SMOOTHING = 0.1
CONFIDENCE = 1.0 - SMOOTHING


def setup_inputs(seed: int = 0) -> dict:
    key = jax.random.key(seed)
    k1, k2 = jax.random.split(key)
    N = 4096
    # x plays the role of log-probabilities fed to KLDivLoss
    x = jax.random.normal(k1, (N, SIZE), dtype=jnp.float32)
    target = jax.random.randint(k2, (N,), 0, SIZE, dtype=jnp.int64)
    return {"x": x, "target": target}


def reference(x, target):
    N = x.shape[0]
    # true_dist = clone of x filled with smoothing/(size-2)
    true_dist = jnp.full(x.shape, SMOOTHING / (SIZE - 2), dtype=x.dtype)
    # scatter confidence at target indices along dim 1
    true_dist = true_dist.at[jnp.arange(N), target].set(CONFIDENCE)
    # zero out padding_idx column
    true_dist = true_dist.at[:, PADDING_IDX].set(0.0)
    # zero out rows whose target is the padding index
    pad_mask = (target == PADDING_IDX)
    true_dist = jnp.where(pad_mask[:, None], 0.0, true_dist)
    # KLDivLoss(reduction='sum') with log-input x:
    #   sum over elements of true_dist * (log(true_dist) - x), with 0*log(0) := 0
    elem = jnp.where(true_dist > 0, true_dist * (jnp.log(jnp.where(true_dist > 0, true_dist, 1.0)) - x), 0.0)
    return jnp.sum(elem)

if __name__ == "__main__":
    import jax
    _d = setup_inputs()
    print(jax.jit(kernel)(*tuple(_d.values())))

</pallas_src>

<mosaic_0001>
#map = affine_map<(d0, d1) -> (0)>
#map1 = affine_map<(d0, d1) -> (0, 0)>
module attributes {stable_mosaic.version = 14 : i64} {
  func.func @_sc_body(%arg0: i32, %arg1: i32, %arg2: memref<134217728xf32, #tpu.memory_space<hbm>>, %arg3: memref<4096xi32, #tpu.memory_space<hbm>>, %arg4: memref<32x64xf32, #tpu.memory_space<hbm>>, %arg5: memref<128xi32, #tpu.memory_space<vmem>>, %arg6: memref<128xi32, #tpu.memory_space<vmem>>, %arg7: memref<128xf32, #tpu.memory_space<vmem>>, %arg8: memref<128xf32, #tpu.memory_space<vmem>>, %arg9: memref<64xf32, #tpu.memory_space<vmem>>, %arg10: memref<!tpu.dma_semaphore, #tpu.memory_space<semaphore_mem>>) attributes {dimension_semantics = [#tpu.dimension_semantics<core_parallel>, #tpu.dimension_semantics<subcore_parallel>], iteration_bounds = array<i64: 2, 16>, scalar_prefetch = 0 : i64, scratch_operands = 6 : i64, tpu.core_type = #tpu.core_type<sc_vector_subcore>, window_params = [{transform_indices = #map}, {transform_indices = #map}, {transform_indices = #map1}]} {
    %mul3A = arith.constant 2 : i32
    %mul3A_0 = arith.muli %arg1, %mul3A : i32
    %add3A = arith.addi %mul3A_0, %arg0 : i32
    %mul3A_1 = arith.constant 128 : i32
    %mul3A_2 = arith.muli %add3A, %mul3A_1 : i32
    "tpu.region"() ({
      %run_scoped3A = tpu.sem_alloc : memref<!tpu.dma_semaphore, #tpu.memory_space<semaphore_mem>>
      %dma_start3A_696 = tpu.memref_slice %arg3[%mul3A_2] : memref<4096xi32, #tpu.memory_space<hbm>> -> memref<128xi32, #tpu.memory_space<hbm>>
      %dma_start3A_697 = tpu.memref_slice %arg3[%mul3A_2] : memref<4096xi32, #tpu.memory_space<hbm>> -> memref<128xi32, #tpu.memory_space<hbm>>
      tpu.enqueue_dma source(%dma_start3A_697 : memref<128xi32, #tpu.memory_space<hbm>>) target(%arg5 : memref<128xi32, #tpu.memory_space<vmem>>) target_semaphore(%run_scoped3A : memref<!tpu.dma_semaphore, #tpu.memory_space<semaphore_mem>>)
      %dma_wait3A_698 = tpu.memref_slice %arg3[%mul3A_2] : memref<4096xi32, #tpu.memory_space<hbm>> -> memref<128xi32, #tpu.memory_space<hbm>>
      %dma_wait3A_699 = tpu.memref_slice %arg3[%mul3A_2] : memref<4096xi32, #tpu.memory_space<hbm>> -> memref<128xi32, #tpu.memory_space<hbm>>
      tpu.wait_dma2 semaphore(%run_scoped3A : memref<!tpu.dma_semaphore, #tpu.memory_space<semaphore_mem>>) src(%dma_wait3A_699 : memref<128xi32, #tpu.memory_space<hbm>>) dst(%arg5 : memref<128xi32, #tpu.memory_space<vmem>>)
      tpu.yield
    }) : () -> ()
    %get3A = arith.constant 0 : index
    %get3A_3 = tpu.vector_load %arg5[%get3A] {strides = array<i32>} : memref<128xi32, #tpu.memory_space<vmem>>, vector<16xi32>,
    %get3A_4 = vector.shape_cast %get3A_3 : vector<16xi32> to vector<16xi32>
    %add3A_5 = arith.constant 0 : i32
    %add3A_6 = arith.addi %mul3A_2, %add3A_5 : i32
    %iota3A = tpu.iota {dimensions = array<i32: 0>} : vector<16xi32>
    %add3A_7 = vector.broadcast %add3A_6 : i32 to vector<16xi32>
    %add3A_8 = arith.addi %add3A_7, %iota3A : vector<16xi32>
    %shift_right_arithmetic3A = arith.constant 3 : i32
    %shift_right_arithmetic3A_9 = vector.broadcast %shift_right_arithmetic3A : i32 to vector<16xi32>
    %shift_right_arithmetic3A_10 = arith.shrsi %add3A_8, %shift_right_arithmetic3A_9 : vector<16xi32>
    %mul3A_11 = arith.constant 262144 : i32
    %mul3A_12 = vector.broadcast %mul3A_11 : i32 to vector<16xi32>
    %mul3A_13 = arith.muli %shift_right_arithmetic3A_10, %mul3A_12 : vector<16xi32>
    %shift_right_arithmetic3A_14 = arith.constant 7 : i32
    %shift_right_arithmetic3A_15 = vector.broadcast %shift_right_arithmetic3A_14 : i32 to vector<16xi32>
    %shift_right_arithmetic3A_16 = arith.shrsi %get3A_4, %shift_right_arithmetic3A_15 : vector<16xi32>
    %mul3A_17 = arith.constant 1024 : i32
    %mul3A_18 = vector.broadcast %mul3A_17 : i32 to vector<16xi32>
    %mul3A_19 = arith.muli %shift_right_arithmetic3A_16, %mul3A_18 : vector<16xi32>
    %add3A_20 = arith.addi %mul3A_13, %mul3A_19 : vector<16xi32>
    %and3A = arith.constant 7 : i32
    %and3A_21 = vector.broadcast %and3A : i32 to vector<16xi32>
    %and3A_22 = arith.andi %add3A_8, %and3A_21 : vector<16xi32>
    %mul3A_23 = arith.constant 128 : i32
    %mul3A_24 = vector.broadcast %mul3A_23 : i32 to vector<16xi32>
    %mul3A_25 = arith.muli %and3A_22, %mul3A_24 : vector<16xi32>
    %add3A_26 = arith.addi %add3A_20, %mul3A_25 : vector<16xi32>
    %and3A_27 = arith.constant 127 : i32
    %and3A_28 = vector.broadcast %and3A_27 : i32 to vector<16xi32>
    %and3A_29 = arith.andi %get3A_4, %and3A_28 : vector<16xi32>
    %add3A_30 = arith.addi %add3A_26, %and3A_29 : vector<16xi32>
    %swap3A = arith.constant 0 : index
    %swap3A_31 = tpu.vector_load %arg6[%swap3A] {strides = array<i32>} : memref<128xi32, #tpu.memory_space<vmem>>, vector<16xi32>,
    %swap3A_32 = vector.shape_cast %swap3A_31 : vector<16xi32> to vector<16xi32>
    %swap3A_33 = vector.shape_cast %add3A_30 : vector<16xi32> to vector<16xi32>
    tpu.vector_store %arg6[%swap3A], %swap3A_33 {strides = array<i32>} : memref<128xi32, #tpu.memory_space<vmem>>, vector<16xi32>,
    %get3A_34 = arith.constant 16 : index
    %get3A_35 = tpu.vector_load %arg5[%get3A_34] {strides = array<i32>} : memref<128xi32, #tpu.memory_space<vmem>>, vector<16xi32>,
    %get3A_36 = vector.shape_cast %get3A_35 : vector<16xi32> to vector<16xi32>
    %add3A_37 = arith.constant 16 : i32
    %add3A_38 = arith.addi %mul3A_2, %add3A_37 : i32
    %iota3A_39 = tpu.iota {dimensions = array<i32: 0>} : vector<16xi32>
    %add3A_40 = vector.broadcast %add3A_38 : i32 to vector<16xi32>
    %add3A_41 = arith.addi %add3A_40, %iota3A_39 : vector<16xi32>
    %shift_right_arithmetic3A_42 = arith.constant 3 : i32
    %shift_right_arithmetic3A_43 = vector.broadcast %shift_right_arithmetic3A_42 : i32 to vector<16xi32>
    %shift_right_arithmetic3A_44 = arith.shrsi %add3A_41, %shift_right_arithmetic3A_43 : vector<16xi32>
    %mul3A_45 = arith.constant 262144 : i32
    %mul3A_46 = vector.broadcast %mul3A_45 : i32 to vector<16xi32>
    %mul3A_47 = arith.muli %shift_right_arithmetic3A_44, %mul3A_46 : vector<16xi32>
    %shift_right_arithmetic3A_48 = arith.constant 7 : i32
    %shift_right_arithmetic3A_49 = vector.broadcast %shift_right_arithmetic3A_48 : i32 to vector<16xi32>
    %shift_right_arithmetic3A_50 = arith.shrsi %get3A_36, %shift_right_arithmetic3A_49 : vector<16xi32>
    %mul3A_51 = arith.constant 1024 : i32
    %mul3A_52 = vector.broadcast %mul3A_51 : i32 to vector<16xi32>
    %mul3A_53 = arith.muli %shift_right_arithmetic3A_50, %mul3A_52 : vector<16xi32>
    %add3A_54 = arith.addi %mul3A_47, %mul3A_53 : vector<16xi32>
    %and3A_55 = arith.constant 7 : i32
    %and3A_56 = vector.broadcast %and3A_55 : i32 to vector<16xi32>
    %and3A_57 = arith.andi %add3A_41, %and3A_56 : vector<16xi32>
    %mul3A_58 = arith.constant 128 : i32
    %mul3A_59 = vector.broadcast %mul3A_58 : i32 to vector<16xi32>
    %mul3A_60 = arith.muli %and3A_57, %mul3A_59 : vector<16xi32>
    %add3A_61 = arith.addi %add3A_54, %mul3A_60 : vector<16xi32>
    %and3A_62 = arith.constant 127 : i32
    %and3A_63 = vector.broadcast %and3A_62 : i32 to vector<16xi32>
    %and3A_64 = arith.andi %get3A_36, %and3A_63 : vector<16xi32>
    %add3A_65 = arith.addi %add3A_61, %and3A_64 : vector<16xi32>
    %swap3A_66 = arith.constant 16 : index
    %swap3A_67 = tpu.vector_load %arg6[%swap3A_66] {strides = array<i32>} : memref<128xi32, #tpu.memory_space<vmem>>, vector<16xi32>,
    %swap3A_68 = vector.shape_cast %swap3A_67 : vector<16xi32> to vector<16xi32>
    %swap3A_69 = vector.shape_cast %add3A_65 : vector<16xi32> to vector<16xi32>
    tpu.vector_store %arg6[%swap3A_66], %swap3A_69 {strides = array<i32>} : memref<128xi32, #tpu.memory_space<vmem>>, vector<16xi32>,
    %get3A_70 = arith.constant 32 : index
    %get3A_71 = tpu.vector_load %arg5[%get3A_70] {strides = array<i32>} : memref<128xi32, #tpu.memory_space<vmem>>, vector<16xi32>,
    %get3A_72 = vector.shape_cast %get3A_71 : vector<16xi32> to vector<16xi32>
    %add3A_73 = arith.constant 32 : i32
    %add3A_74 = arith.addi %mul3A_2, %add3A_73 : i32
    %iota3A_75 = tpu.iota {dimensions = array<i32: 0>} : vector<16xi32>
    %add3A_76 = vector.broadcast %add3A_74 : i32 to vector<16xi32>
    %add3A_77 = arith.addi %add3A_76, %iota3A_75 : vector<16xi32>
    %shift_right_arithmetic3A_78 = arith.constant 3 : i32
    %shift_right_arithmetic3A_79 = vector.broadcast %shift_right_arithmetic3A_78 : i32 to vector<16xi32>
    %shift_right_arithmetic3A_80 = arith.shrsi %add3A_77, %shift_right_arithmetic3A_79 : vector<16xi32>
    %mul3A_81 = arith.constant 262144 : i32
    %mul3A_82 = vector.broadcast %mul3A_81 : i32 to vector<16xi32>
    %mul3A_83 = arith.muli %shift_right_arithmetic3A_80, %mul3A_82 : vector<16xi32>
    %shift_right_arithmetic3A_84 = arith.constant 7 : i32
    %shift_right_arithmetic3A_85 = vector.broadcast %shift_right_arithmetic3A_84 : i32 to vector<16xi32>
    %shift_right_arithmetic3A_86 = arith.shrsi %get3A_72, %shift_right_arithmetic3A_85 : vector<16xi32>
    %mul3A_87 = arith.constant 1024 : i32
    %mul3A_88 = vector.broadcast %mul3A_87 : i32 to vector<16xi32>
    %mul3A_89 = arith.muli %shift_right_arithmetic3A_86, %mul3A_88 : vector<16xi32>
    %add3A_90 = arith.addi %mul3A_83, %mul3A_89 : vector<16xi32>
    %and3A_91 = arith.constant 7 : i32
    %and3A_92 = vector.broadcast %and3A_91 : i32 to vector<16xi32>
    %and3A_93 = arith.andi %add3A_77, %and3A_92 : vector<16xi32>
    %mul3A_94 = arith.constant 128 : i32
    %mul3A_95 = vector.broadcast %mul3A_94 : i32 to vector<16xi32>
    %mul3A_96 = arith.muli %and3A_93, %mul3A_95 : vector<16xi32>
    %add3A_97 = arith.addi %add3A_90, %mul3A_96 : vector<16xi32>
    %and3A_98 = arith.constant 127 : i32
    %and3A_99 = vector.broadcast %and3A_98 : i32 to vector<16xi32>
    %and3A_100 = arith.andi %get3A_72, %and3A_99 : vector<16xi32>
    %add3A_101 = arith.addi %add3A_97, %and3A_100 : vector<16xi32>
    %swap3A_102 = arith.constant 32 : index
    %swap3A_103 = tpu.vector_load %arg6[%swap3A_102] {strides = array<i32>} : memref<128xi32, #tpu.memory_space<vmem>>, vector<16xi32>,
    %swap3A_104 = vector.shape_cast %swap3A_103 : vector<16xi32> to vector<16xi32>
    %swap3A_105 = vector.shape_cast %add3A_101 : vector<16xi32> to vector<16xi32>
    tpu.vector_store %arg6[%swap3A_102], %swap3A_105 {strides = array<i32>} : memref<128xi32, #tpu.memory_space<vmem>>, vector<16xi32>,
    %get3A_106 = arith.constant 48 : index
    %get3A_107 = tpu.vector_load %arg5[%get3A_106] {strides = array<i32>} : memref<128xi32, #tpu.memory_space<vmem>>, vector<16xi32>,
    %get3A_108 = vector.shape_cast %get3A_107 : vector<16xi32> to vector<16xi32>
    %add3A_109 = arith.constant 48 : i32
    %add3A_110 = arith.addi %mul3A_2, %add3A_109 : i32
    %iota3A_111 = tpu.iota {dimensions = array<i32: 0>} : vector<16xi32>
    %add3A_112 = vector.broadcast %add3A_110 : i32 to vector<16xi32>
    %add3A_113 = arith.addi %add3A_112, %iota3A_111 : vector<16xi32>
    %shift_right_arithmetic3A_114 = arith.constant 3 : i32
    %shift_right_arithmetic3A_115 = vector.broadcast %shift_right_arithmetic3A_114 : i32 to vector<16xi32>
    %shift_right_arithmetic3A_116 = arith.shrsi %add3A_113, %shift_right_arithmetic3A_115 : vector<16xi32>
    %mul3A_117 = arith.constant 262144 : i32
    %mul3A_118 = vector.broadcast %mul3A_117 : i32 to vector<16xi32>
    %mul3A_119 = arith.muli %shift_right_arithmetic3A_116, %mul3A_118 : vector<16xi32>
    %shift_right_arithmetic3A_120 = arith.constant 7 : i32
    %shift_right_arithmetic3A_121 = vector.broadcast %shift_right_arithmetic3A_120 : i32 to vector<16xi32>
    %shift_right_arithmetic3A_122 = arith.shrsi %get3A_108, %shift_right_arithmetic3A_121 : vector<16xi32>
    %mul3A_123 = arith.constant 1024 : i32
    %mul3A_124 = vector.broadcast %mul3A_123 : i32 to vector<16xi32>
    %mul3A_125 = arith.muli %shift_right_arithmetic3A_122, %mul3A_124 : vector<16xi32>
    %add3A_126 = arith.addi %mul3A_119, %mul3A_125 : vector<16xi32>
    %and3A_127 = arith.constant 7 : i32
    %and3A_128 = vector.broadcast %and3A_127 : i32 to vector<16xi32>
    %and3A_129 = arith.andi %add3A_113, %and3A_128 : vector<16xi32>
    %mul3A_130 = arith.constant 128 : i32
    %mul3A_131 = vector.broadcast %mul3A_130 : i32 to vector<16xi32>
    %mul3A_132 = arith.muli %and3A_129, %mul3A_131 : vector<16xi32>
    %add3A_133 = arith.addi %add3A_126, %mul3A_132 : vector<16xi32>
    %and3A_134 = arith.constant 127 : i32
    %and3A_135 = vector.broadcast %and3A_134 : i32 to vector<16xi32>
    %and3A_136 = arith.andi %get3A_108, %and3A_135 : vector<16xi32>
    %add3A_137 = arith.addi %add3A_133, %and3A_136 : vector<16xi32>
    %swap3A_138 = arith.constant 48 : index
    %swap3A_139 = tpu.vector_load %arg6[%swap3A_138] {strides = array<i32>} : memref<128xi32, #tpu.memory_space<vmem>>, vector<16xi32>,
    %swap3A_140 = vector.shape_cast %swap3A_139 : vector<16xi32> to vector<16xi32>
    %swap3A_141 = vector.shape_cast %add3A_137 : vector<16xi32> to vector<16xi32>
    tpu.vector_store %arg6[%swap3A_138], %swap3A_141 {strides = array<i32>} : memref<128xi32, #tpu.memory_space<vmem>>, vector<16xi32>,
    %get3A_142 = arith.constant 64 : index
    %get3A_143 = tpu.vector_load %arg5[%get3A_142] {strides = array<i32>} : memref<128xi32, #tpu.memory_space<vmem>>, vector<16xi32>,
    %get3A_144 = vector.shape_cast %get3A_143 : vector<16xi32> to vector<16xi32>
    %add3A_145 = arith.constant 64 : i32
    %add3A_146 = arith.addi %mul3A_2, %add3A_145 : i32
    %iota3A_147 = tpu.iota {dimensions = array<i32: 0>} : vector<16xi32>
    %add3A_148 = vector.broadcast %add3A_146 : i32 to vector<16xi32>
    %add3A_149 = arith.addi %add3A_148, %iota3A_147 : vector<16xi32>
    %shift_right_arithmetic3A_150 = arith.constant 3 : i32
    %shift_right_arithmetic3A_151 = vector.broadcast %shift_right_arithmetic3A_150 : i32 to vector<16xi32>
    %shift_right_arithmetic3A_152 = arith.shrsi %add3A_149, %shift_right_arithmetic3A_151 : vector<16xi32>
    %mul3A_153 = arith.constant 262144 : i32
    %mul3A_154 = vector.broadcast %mul3A_153 : i32 to vector<16xi32>
    %mul3A_155 = arith.muli %shift_right_arithmetic3A_152, %mul3A_154 : vector<16xi32>
    %shift_right_arithmetic3A_156 = arith.constant 7 : i32
    %shift_right_arithmetic3A_157 = vector.broadcast %shift_right_arithmetic3A_156 : i32 to vector<16xi32>
    %shift_right_arithmetic3A_158 = arith.shrsi %get3A_144, %shift_right_arithmetic3A_157 : vector<16xi32>
    %mul3A_159 = arith.constant 1024 : i32
    %mul3A_160 = vector.broadcast %mul3A_159 : i32 to vector<16xi32>
    %mul3A_161 = arith.muli %shift_right_arithmetic3A_158, %mul3A_160 : vector<16xi32>
    %add3A_162 = arith.addi %mul3A_155, %mul3A_161 : vector<16xi32>
    %and3A_163 = arith.constant 7 : i32
    %and3A_164 = vector.broadcast %and3A_163 : i32 to vector<16xi32>
    %and3A_165 = arith.andi %add3A_149, %and3A_164 : vector<16xi32>
    %mul3A_166 = arith.constant 128 : i32
    %mul3A_167 = vector.broadcast %mul3A_166 : i32 to vector<16xi32>
    %mul3A_168 = arith.muli %and3A_165, %mul3A_167 : vector<16xi32>
    %add3A_169 = arith.addi %add3A_162, %mul3A_168 : vector<16xi32>
    %and3A_170 = arith.constant 127 : i32
    %and3A_171 = vector.broadcast %and3A_170 : i32 to vector<16xi32>
    %and3A_172 = arith.andi %get3A_144, %and3A_171 : vector<16xi32>
    %add3A_173 = arith.addi %add3A_169, %and3A_172 : vector<16xi32>
    %swap3A_174 = arith.constant 64 : index
    %swap3A_175 = tpu.vector_load %arg6[%swap3A_174] {strides = array<i32>} : memref<128xi32, #tpu.memory_space<vmem>>, vector<16xi32>,
    %swap3A_176 = vector.shape_cast %swap3A_175 : vector<16xi32> to vector<16xi32>
    %swap3A_177 = vector.shape_cast %add3A_173 : vector<16xi32> to vector<16xi32>
    tpu.vector_store %arg6[%swap3A_174], %swap3A_177 {strides = array<i32>} : memref<128xi32, #tpu.memory_space<vmem>>, vector<16xi32>,
    %get3A_178 = arith.constant 80 : index
    %get3A_179 = tpu.vector_load %arg5[%get3A_178] {strides = array<i32>} : memref<128xi32, #tpu.memory_space<vmem>>, vector<16xi32>,
    %get3A_180 = vector.shape_cast %get3A_179 : vector<16xi32> to vector<16xi32>
    %add3A_181 = arith.constant 80 : i32
    %add3A_182 = arith.addi %mul3A_2, %add3A_181 : i32
    %iota3A_183 = tpu.iota {dimensions = array<i32: 0>} : vector<16xi32>
    %add3A_184 = vector.broadcast %add3A_182 : i32 to vector<16xi32>
    %add3A_185 = arith.addi %add3A_184, %iota3A_183 : vector<16xi32>
    %shift_right_arithmetic3A_186 = arith.constant 3 : i32
    %shift_right_arithmetic3A_187 = vector.broadcast %shift_right_arithmetic3A_186 : i32 to vector<16xi32>
    %shift_right_arithmetic3A_188 = arith.shrsi %add3A_185, %shift_right_arithmetic3A_187 : vector<16xi32>
    %mul3A_189 = arith.constant 262144 : i32
    %mul3A_190 = vector.broadcast %mul3A_189 : i32 to vector<16xi32>
    %mul3A_191 = arith.muli %shift_right_arithmetic3A_188, %mul3A_190 : vector<16xi32>
    %shift_right_arithmetic3A_192 = arith.constant 7 : i32
    %shift_right_arithmetic3A_193 = vector.broadcast %shift_right_arithmetic3A_192 : i32 to vector<16xi32>
    %shift_right_arithmetic3A_194 = arith.shrsi %get3A_180, %shift_right_arithmetic3A_193 : vector<16xi32>
    %mul3A_195 = arith.constant 1024 : i32
    %mul3A_196 = vector.broadcast %mul3A_195 : i32 to vector<16xi32>
    %mul3A_197 = arith.muli %shift_right_arithmetic3A_194, %mul3A_196 : vector<16xi32>
    %add3A_198 = arith.addi %mul3A_191, %mul3A_197 : vector<16xi32>
    %and3A_199 = arith.constant 7 : i32
    %and3A_200 = vector.broadcast %and3A_199 : i32 to vector<16xi32>
    %and3A_201 = arith.andi %add3A_185, %and3A_200 : vector<16xi32>
    %mul3A_202 = arith.constant 128 : i32
    %mul3A_203 = vector.broadcast %mul3A_202 : i32 to vector<16xi32>
    %mul3A_204 = arith.muli %and3A_201, %mul3A_203 : vector<16xi32>
    %add3A_205 = arith.addi %add3A_198, %mul3A_204 : vector<16xi32>
    %and3A_206 = arith.constant 127 : i32
    %and3A_207 = vector.broadcast %and3A_206 : i32 to vector<16xi32>
    %and3A_208 = arith.andi %get3A_180, %and3A_207 : vector<16xi32>
    %add3A_209 = arith.addi %add3A_205, %and3A_208 : vector<16xi32>
    %swap3A_210 = arith.constant 80 : index
    %swap3A_211 = tpu.vector_load %arg6[%swap3A_210] {strides = array<i32>} : memref<128xi32, #tpu.memory_space<vmem>>, vector<16xi32>,
    %swap3A_212 = vector.shape_cast %swap3A_211 : vector<16xi32> to vector<16xi32>
    %swap3A_213 = vector.shape_cast %add3A_209 : vector<16xi32> to vector<16xi32>
    tpu.vector_store %arg6[%swap3A_210], %swap3A_213 {strides = array<i32>} : memref<128xi32, #tpu.memory_space<vmem>>, vector<16xi32>,
    %get3A_214 = arith.constant 96 : index
    %get3A_215 = tpu.vector_load %arg5[%get3A_214] {strides = array<i32>} : memref<128xi32, #tpu.memory_space<vmem>>, vector<16xi32>,
    %get3A_216 = vector.shape_cast %get3A_215 : vector<16xi32> to vector<16xi32>
    %add3A_217 = arith.constant 96 : i32
    %add3A_218 = arith.addi %mul3A_2, %add3A_217 : i32
    %iota3A_219 = tpu.iota {dimensions = array<i32: 0>} : vector<16xi32>
    %add3A_220 = vector.broadcast %add3A_218 : i32 to vector<16xi32>
    %add3A_221 = arith.addi %add3A_220, %iota3A_219 : vector<16xi32>
    %shift_right_arithmetic3A_222 = arith.constant 3 : i32
    %shift_right_arithmetic3A_223 = vector.broadcast %shift_right_arithmetic3A_222 : i32 to vector<16xi32>
    %shift_right_arithmetic3A_224 = arith.shrsi %add3A_221, %shift_right_arithmetic3A_223 : vector<16xi32>
    %mul3A_225 = arith.constant 262144 : i32
    %mul3A_226 = vector.broadcast %mul3A_225 : i32 to vector<16xi32>
    %mul3A_227 = arith.muli %shift_right_arithmetic3A_224, %mul3A_226 : vector<16xi32>
    %shift_right_arithmetic3A_228 = arith.constant 7 : i32
    %shift_right_arithmetic3A_229 = vector.broadcast %shift_right_arithmetic3A_228 : i32 to vector<16xi32>
    %shift_right_arithmetic3A_230 = arith.shrsi %get3A_216, %shift_right_arithmetic3A_229 : vector<16xi32>
    %mul3A_231 = arith.constant 1024 : i32
    %mul3A_232 = vector.broadcast %mul3A_231 : i32 to vector<16xi32>
    %mul3A_233 = arith.muli %shift_right_arithmetic3A_230, %mul3A_232 : vector<16xi32>
    %add3A_234 = arith.addi %mul3A_227, %mul3A_233 : vector<16xi32>
    %and3A_235 = arith.constant 7 : i32
    %and3A_236 = vector.broadcast %and3A_235 : i32 to vector<16xi32>
    %and3A_237 = arith.andi %add3A_221, %and3A_236 : vector<16xi32>
    %mul3A_238 = arith.constant 128 : i32
    %mul3A_239 = vector.broadcast %mul3A_238 : i32 to vector<16xi32>
    %mul3A_240 = arith.muli %and3A_237, %mul3A_239 : vector<16xi32>
    %add3A_241 = arith.addi %add3A_234, %mul3A_240 : vector<16xi32>
    %and3A_242 = arith.constant 127 : i32
    %and3A_243 = vector.broadcast %and3A_242 : i32 to vector<16xi32>
    %and3A_244 = arith.andi %get3A_216, %and3A_243 : vector<16xi32>
    %add3A_245 = arith.addi %add3A_241, %and3A_244 : vector<16xi32>
    %swap3A_246 = arith.constant 96 : index
    %swap3A_247 = tpu.vector_load %arg6[%swap3A_246] {strides = array<i32>} : memref<128xi32, #tpu.memory_space<vmem>>, vector<16xi32>,
    %swap3A_248 = vector.shape_cast %swap3A_247 : vector<16xi32> to vector<16xi32>
    %swap3A_249 = vector.shape_cast %add3A_245 : vector<16xi32> to vector<16xi32>
    tpu.vector_store %arg6[%swap3A_246], %swap3A_249 {strides = array<i32>} : memref<128xi32, #tpu.memory_space<vmem>>, vector<16xi32>,
    %get3A_250 = arith.constant 112 : index
    %get3A_251 = tpu.vector_load %arg5[%get3A_250] {strides = array<i32>} : memref<128xi32, #tpu.memory_space<vmem>>, vector<16xi32>,
    %get3A_252 = vector.shape_cast %get3A_251 : vector<16xi32> to vector<16xi32>
    %add3A_253 = arith.constant 112 : i32
    %add3A_254 = arith.addi %mul3A_2, %add3A_253 : i32
    %iota3A_255 = tpu.iota {dimensions = array<i32: 0>} : vector<16xi32>
    %add3A_256 = vector.broadcast %add3A_254 : i32 to vector<16xi32>
    %add3A_257 = arith.addi %add3A_256, %iota3A_255 : vector<16xi32>
    %shift_right_arithmetic3A_258 = arith.constant 3 : i32
    %shift_right_arithmetic3A_259 = vector.broadcast %shift_right_arithmetic3A_258 : i32 to vector<16xi32>
    %shift_right_arithmetic3A_260 = arith.shrsi %add3A_257, %shift_right_arithmetic3A_259 : vector<16xi32>
    %mul3A_261 = arith.constant 262144 : i32
    %mul3A_262 = vector.broadcast %mul3A_261 : i32 to vector<16xi32>
    %mul3A_263 = arith.muli %shift_right_arithmetic3A_260, %mul3A_262 : vector<16xi32>
    %shift_right_arithmetic3A_264 = arith.constant 7 : i32
    %shift_right_arithmetic3A_265 = vector.broadcast %shift_right_arithmetic3A_264 : i32 to vector<16xi32>
    %shift_right_arithmetic3A_266 = arith.shrsi %get3A_252, %shift_right_arithmetic3A_265 : vector<16xi32>
    %mul3A_267 = arith.constant 1024 : i32
    %mul3A_268 = vector.broadcast %mul3A_267 : i32 to vector<16xi32>
    %mul3A_269 = arith.muli %shift_right_arithmetic3A_266, %mul3A_268 : vector<16xi32>
    %add3A_270 = arith.addi %mul3A_263, %mul3A_269 : vector<16xi32>
    %and3A_271 = arith.constant 7 : i32
    %and3A_272 = vector.broadcast %and3A_271 : i32 to vector<16xi32>
    %and3A_273 = arith.andi %add3A_257, %and3A_272 : vector<16xi32>
    %mul3A_274 = arith.constant 128 : i32
    %mul3A_275 = vector.broadcast %mul3A_274 : i32 to vector<16xi32>
    %mul3A_276 = arith.muli %and3A_273, %mul3A_275 : vector<16xi32>
    %add3A_277 = arith.addi %add3A_270, %mul3A_276 : vector<16xi32>
    %and3A_278 = arith.constant 127 : i32
    %and3A_279 = vector.broadcast %and3A_278 : i32 to vector<16xi32>
    %and3A_280 = arith.andi %get3A_252, %and3A_279 : vector<16xi32>
    %add3A_281 = arith.addi %add3A_277, %and3A_280 : vector<16xi32>
    %swap3A_282 = arith.constant 112 : index
    %swap3A_283 = tpu.vector_load %arg6[%swap3A_282] {strides = array<i32>} : memref<128xi32, #tpu.memory_space<vmem>>, vector<16xi32>,
    %swap3A_284 = vector.shape_cast %swap3A_283 : vector<16xi32> to vector<16xi32>
    %swap3A_285 = vector.shape_cast %add3A_281 : vector<16xi32> to vector<16xi32>
    tpu.vector_store %arg6[%swap3A_282], %swap3A_285 {strides = array<i32>} : memref<128xi32, #tpu.memory_space<vmem>>, vector<16xi32>,
    %dma_start3A = arith.constant 0 : i32
    %dma_start3A_286 = tpu.memref_slice %arg2[%dma_start3A] : memref<134217728xf32, #tpu.memory_space<hbm>> -> memref<134217728xf32, #tpu.memory_space<hbm>>
    tpu.enqueue_indirect_dma source(%dma_start3A_286 : memref<134217728xf32, #tpu.memory_space<hbm>>) target(%arg7 : memref<128xf32, #tpu.memory_space<vmem>>) offsets(%arg6 : memref<128xi32, #tpu.memory_space<vmem>>) semaphore(%arg10 : memref<!tpu.dma_semaphore, #tpu.memory_space<semaphore_mem>>)
    %dma_wait3A = arith.constant 0 : i32
    %dma_wait3A_287 = tpu.memref_slice %arg2[%dma_wait3A] : memref<134217728xf32, #tpu.memory_space<hbm>> -> memref<134217728xf32, #tpu.memory_space<hbm>>
    tpu.wait_indirect_dma semaphore(%arg10 : memref<!tpu.dma_semaphore, #tpu.memory_space<semaphore_mem>>) src(%dma_wait3A_287 : memref<134217728xf32, #tpu.memory_space<hbm>>) dst(%arg7 : memref<128xf32, #tpu.memory_space<vmem>>)
    %add3A_288 = arith.constant 0 : i32
    %add3A_289 = arith.addi %mul3A_2, %add3A_288 : i32
    %iota3A_290 = tpu.iota {dimensions = array<i32: 0>} : vector<16xi32>
    %add3A_291 = vector.broadcast %add3A_289 : i32 to vector<16xi32>
    %add3A_292 = arith.addi %add3A_291, %iota3A_290 : vector<16xi32>
    %shift_right_arithmetic3A_293 = arith.constant 3 : i32
    %shift_right_arithmetic3A_294 = vector.broadcast %shift_right_arithmetic3A_293 : i32 to vector<16xi32>
    %shift_right_arithmetic3A_295 = arith.shrsi %add3A_292, %shift_right_arithmetic3A_294 : vector<16xi32>
    %mul3A_296 = arith.constant 262144 : i32
    %mul3A_297 = vector.broadcast %mul3A_296 : i32 to vector<16xi32>
    %mul3A_298 = arith.muli %shift_right_arithmetic3A_295, %mul3A_297 : vector<16xi32>
    %and3A_299 = arith.constant 7 : i32
    %and3A_300 = vector.broadcast %and3A_299 : i32 to vector<16xi32>
    %and3A_301 = arith.andi %add3A_292, %and3A_300 : vector<16xi32>
    %mul3A_302 = arith.constant 128 : i32
    %mul3A_303 = vector.broadcast %mul3A_302 : i32 to vector<16xi32>
    %mul3A_304 = arith.muli %and3A_301, %mul3A_303 : vector<16xi32>
    %add3A_305 = arith.addi %mul3A_298, %mul3A_304 : vector<16xi32>
    %swap3A_306 = arith.constant 0 : index
    %swap3A_307 = tpu.vector_load %arg6[%swap3A_306] {strides = array<i32>} : memref<128xi32, #tpu.memory_space<vmem>>, vector<16xi32>,
    %swap3A_308 = vector.shape_cast %swap3A_307 : vector<16xi32> to vector<16xi32>
    %swap3A_309 = vector.shape_cast %add3A_305 : vector<16xi32> to vector<16xi32>
    tpu.vector_store %arg6[%swap3A_306], %swap3A_309 {strides = array<i32>} : memref<128xi32, #tpu.memory_space<vmem>>, vector<16xi32>,
    %add3A_310 = arith.constant 16 : i32
    %add3A_311 = arith.addi %mul3A_2, %add3A_310 : i32
    %iota3A_312 = tpu.iota {dimensions = array<i32: 0>} : vector<16xi32>
    %add3A_313 = vector.broadcast %add3A_311 : i32 to vector<16xi32>
    %add3A_314 = arith.addi %add3A_313, %iota3A_312 : vector<16xi32>
    %shift_right_arithmetic3A_315 = arith.constant 3 : i32
    %shift_right_arithmetic3A_316 = vector.broadcast %shift_right_arithmetic3A_315 : i32 to vector<16xi32>
    %shift_right_arithmetic3A_317 = arith.shrsi %add3A_314, %shift_right_arithmetic3A_316 : vector<16xi32>
    %mul3A_318 = arith.constant 262144 : i32
    %mul3A_319 = vector.broadcast %mul3A_318 : i32 to vector<16xi32>
    %mul3A_320 = arith.muli %shift_right_arithmetic3A_317, %mul3A_319 : vector<16xi32>
    %and3A_321 = arith.constant 7 : i32
    %and3A_322 = vector.broadcast %and3A_321 : i32 to vector<16xi32>
    %and3A_323 = arith.andi %add3A_314, %and3A_322 : vector<16xi32>
    %mul3A_324 = arith.constant 128 : i32
    %mul3A_325 = vector.broadcast %mul3A_324 : i32 to vector<16xi32>
    %mul3A_326 = arith.muli %and3A_323, %mul3A_325 : vector<16xi32>
    %add3A_327 = arith.addi %mul3A_320, %mul3A_326 : vector<16xi32>
    %swap3A_328 = arith.constant 16 : index
    %swap3A_329 = tpu.vector_load %arg6[%swap3A_328] {strides = array<i32>} : memref<128xi32, #tpu.memory_space<vmem>>, vector<16xi32>,
    %swap3A_330 = vector.shape_cast %swap3A_329 : vector<16xi32> to vector<16xi32>
    %swap3A_331 = vector.shape_cast %add3A_327 : vector<16xi32> to vector<16xi32>
    tpu.vector_store %arg6[%swap3A_328], %swap3A_331 {strides = array<i32>} : memref<128xi32, #tpu.memory_space<vmem>>, vector<16xi32>,
    %add3A_332 = arith.constant 32 : i32
    %add3A_333 = arith.addi %mul3A_2, %add3A_332 : i32
    %iota3A_334 = tpu.iota {dimensions = array<i32: 0>} : vector<16xi32>
    %add3A_335 = vector.broadcast %add3A_333 : i32 to vector<16xi32>
    %add3A_336 = arith.addi %add3A_335, %iota3A_334 : vector<16xi32>
    %shift_right_arithmetic3A_337 = arith.constant 3 : i32
    %shift_right_arithmetic3A_338 = vector.broadcast %shift_right_arithmetic3A_337 : i32 to vector<16xi32>
    %shift_right_arithmetic3A_339 = arith.shrsi %add3A_336, %shift_right_arithmetic3A_338 : vector<16xi32>
    %mul3A_340 = arith.constant 262144 : i32
    %mul3A_341 = vector.broadcast %mul3A_340 : i32 to vector<16xi32>
    %mul3A_342 = arith.muli %shift_right_arithmetic3A_339, %mul3A_341 : vector<16xi32>
    %and3A_343 = arith.constant 7 : i32
    %and3A_344 = vector.broadcast %and3A_343 : i32 to vector<16xi32>
    %and3A_345 = arith.andi %add3A_336, %and3A_344 : vector<16xi32>
    %mul3A_346 = arith.constant 128 : i32
    %mul3A_347 = vector.broadcast %mul3A_346 : i32 to vector<16xi32>
    %mul3A_348 = arith.muli %and3A_345, %mul3A_347 : vector<16xi32>
    %add3A_349 = arith.addi %mul3A_342, %mul3A_348 : vector<16xi32>
    %swap3A_350 = arith.constant 32 : index
    %swap3A_351 = tpu.vector_load %arg6[%swap3A_350] {strides = array<i32>} : memref<128xi32, #tpu.memory_space<vmem>>, vector<16xi32>,
    %swap3A_352 = vector.shape_cast %swap3A_351 : vector<16xi32> to vector<16xi32>
    %swap3A_353 = vector.shape_cast %add3A_349 : vector<16xi32> to vector<16xi32>
    tpu.vector_store %arg6[%swap3A_350], %swap3A_353 {strides = array<i32>} : memref<128xi32, #tpu.memory_space<vmem>>, vector<16xi32>,
    %add3A_354 = arith.constant 48 : i32
    %add3A_355 = arith.addi %mul3A_2, %add3A_354 : i32
    %iota3A_356 = tpu.iota {dimensions = array<i32: 0>} : vector<16xi32>
    %add3A_357 = vector.broadcast %add3A_355 : i32 to vector<16xi32>
    %add3A_358 = arith.addi %add3A_357, %iota3A_356 : vector<16xi32>
    %shift_right_arithmetic3A_359 = arith.constant 3 : i32
    %shift_right_arithmetic3A_360 = vector.broadcast %shift_right_arithmetic3A_359 : i32 to vector<16xi32>
    %shift_right_arithmetic3A_361 = arith.shrsi %add3A_358, %shift_right_arithmetic3A_360 : vector<16xi32>
    %mul3A_362 = arith.constant 262144 : i32
    %mul3A_363 = vector.broadcast %mul3A_362 : i32 to vector<16xi32>
    %mul3A_364 = arith.muli %shift_right_arithmetic3A_361, %mul3A_363 : vector<16xi32>
    %and3A_365 = arith.constant 7 : i32
    %and3A_366 = vector.broadcast %and3A_365 : i32 to vector<16xi32>
    %and3A_367 = arith.andi %add3A_358, %and3A_366 : vector<16xi32>
    %mul3A_368 = arith.constant 128 : i32
    %mul3A_369 = vector.broadcast %mul3A_368 : i32 to vector<16xi32>
    %mul3A_370 = arith.muli %and3A_367, %mul3A_369 : vector<16xi32>
    %add3A_371 = arith.addi %mul3A_364, %mul3A_370 : vector<16xi32>
    %swap3A_372 = arith.constant 48 : index
    %swap3A_373 = tpu.vector_load %arg6[%swap3A_372] {strides = array<i32>} : memref<128xi32, #tpu.memory_space<vmem>>, vector<16xi32>,
    %swap3A_374 = vector.shape_cast %swap3A_373 : vector<16xi32> to vector<16xi32>
    %swap3A_375 = vector.shape_cast %add3A_371 : vector<16xi32> to vector<16xi32>
    tpu.vector_store %arg6[%swap3A_372], %swap3A_375 {strides = array<i32>} : memref<128xi32, #tpu.memory_space<vmem>>, vector<16xi32>,
    %add3A_376 = arith.constant 64 : i32
    %add3A_377 = arith.addi %mul3A_2, %add3A_376 : i32
    %iota3A_378 = tpu.iota {dimensions = array<i32: 0>} : vector<16xi32>
    %add3A_379 = vector.broadcast %add3A_377 : i32 to vector<16xi32>
    %add3A_380 = arith.addi %add3A_379, %iota3A_378 : vector<16xi32>
    %shift_right_arithmetic3A_381 = arith.constant 3 : i32
    %shift_right_arithmetic3A_382 = vector.broadcast %shift_right_arithmetic3A_381 : i32 to vector<16xi32>
    %shift_right_arithmetic3A_383 = arith.shrsi %add3A_380, %shift_right_arithmetic3A_382 : vector<16xi32>
    %mul3A_384 = arith.constant 262144 : i32
    %mul3A_385 = vector.broadcast %mul3A_384 : i32 to vector<16xi32>
    %mul3A_386 = arith.muli %shift_right_arithmetic3A_383, %mul3A_385 : vector<16xi32>
    %and3A_387 = arith.constant 7 : i32
    %and3A_388 = vector.broadcast %and3A_387 : i32 to vector<16xi32>
    %and3A_389 = arith.andi %add3A_380, %and3A_388 : vector<16xi32>
    %mul3A_390 = arith.constant 128 : i32
    %mul3A_391 = vector.broadcast %mul3A_390 : i32 to vector<16xi32>
    %mul3A_392 = arith.muli %and3A_389, %mul3A_391 : vector<16xi32>
    %add3A_393 = arith.addi %mul3A_386, %mul3A_392 : vector<16xi32>
    %swap3A_394 = arith.constant 64 : index
    %swap3A_395 = tpu.vector_load %arg6[%swap3A_394] {strides = array<i32>} : memref<128xi32, #tpu.memory_space<vmem>>, vector<16xi32>,
    %swap3A_396 = vector.shape_cast %swap3A_395 : vector<16xi32> to vector<16xi32>
    %swap3A_397 = vector.shape_cast %add3A_393 : vector<16xi32> to vector<16xi32>
    tpu.vector_store %arg6[%swap3A_394], %swap3A_397 {strides = array<i32>} : memref<128xi32, #tpu.memory_space<vmem>>, vector<16xi32>,
    %add3A_398 = arith.constant 80 : i32
    %add3A_399 = arith.addi %mul3A_2, %add3A_398 : i32
    %iota3A_400 = tpu.iota {dimensions = array<i32: 0>} : vector<16xi32>
    %add3A_401 = vector.broadcast %add3A_399 : i32 to vector<16xi32>
    %add3A_402 = arith.addi %add3A_401, %iota3A_400 : vector<16xi32>
    %shift_right_arithmetic3A_403 = arith.constant 3 : i32
    %shift_right_arithmetic3A_404 = vector.broadcast %shift_right_arithmetic3A_403 : i32 to vector<16xi32>
    %shift_right_arithmetic3A_405 = arith.shrsi %add3A_402, %shift_right_arithmetic3A_404 : vector<16xi32>
    %mul3A_406 = arith.constant 262144 : i32
    %mul3A_407 = vector.broadcast %mul3A_406 : i32 to vector<16xi32>
    %mul3A_408 = arith.muli %shift_right_arithmetic3A_405, %mul3A_407 : vector<16xi32>
    %and3A_409 = arith.constant 7 : i32
    %and3A_410 = vector.broadcast %and3A_409 : i32 to vector<16xi32>
    %and3A_411 = arith.andi %add3A_402, %and3A_410 : vector<16xi32>
    %mul3A_412 = arith.constant 128 : i32
    %mul3A_413 = vector.broadcast %mul3A_412 : i32 to vector<16xi32>
    %mul3A_414 = arith.muli %and3A_411, %mul3A_413 : vector<16xi32>
    %add3A_415 = arith.addi %mul3A_408, %mul3A_414 : vector<16xi32>
    %swap3A_416 = arith.constant 80 : index
    %swap3A_417 = tpu.vector_load %arg6[%swap3A_416] {strides = array<i32>} : memref<128xi32, #tpu.memory_space<vmem>>, vector<16xi32>,
    %swap3A_418 = vector.shape_cast %swap3A_417 : vector<16xi32> to vector<16xi32>
    %swap3A_419 = vector.shape_cast %add3A_415 : vector<16xi32> to vector<16xi32>
    tpu.vector_store %arg6[%swap3A_416], %swap3A_419 {strides = array<i32>} : memref<128xi32, #tpu.memory_space<vmem>>, vector<16xi32>,
    %add3A_420 = arith.constant 96 : i32
    %add3A_421 = arith.addi %mul3A_2, %add3A_420 : i32
    %iota3A_422 = tpu.iota {dimensions = array<i32: 0>} : vector<16xi32>
    %add3A_423 = vector.broadcast %add3A_421 : i32 to vector<16xi32>
    %add3A_424 = arith.addi %add3A_423, %iota3A_422 : vector<16xi32>
    %shift_right_arithmetic3A_425 = arith.constant 3 : i32
    %shift_right_arithmetic3A_426 = vector.broadcast %shift_right_arithmetic3A_425 : i32 to vector<16xi32>
    %shift_right_arithmetic3A_427 = arith.shrsi %add3A_424, %shift_right_arithmetic3A_426 : vector<16xi32>
    %mul3A_428 = arith.constant 262144 : i32
    %mul3A_429 = vector.broadcast %mul3A_428 : i32 to vector<16xi32>
    %mul3A_430 = arith.muli %shift_right_arithmetic3A_427, %mul3A_429 : vector<16xi32>
    %and3A_431 = arith.constant 7 : i32
    %and3A_432 = vector.broadcast %and3A_431 : i32 to vector<16xi32>
    %and3A_433 = arith.andi %add3A_424, %and3A_432 : vector<16xi32>
    %mul3A_434 = arith.constant 128 : i32
    %mul3A_435 = vector.broadcast %mul3A_434 : i32 to vector<16xi32>
    %mul3A_436 = arith.muli %and3A_433, %mul3A_435 : vector<16xi32>
    %add3A_437 = arith.addi %mul3A_430, %mul3A_436 : vector<16xi32>
    %swap3A_438 = arith.constant 96 : index
    %swap3A_439 = tpu.vector_load %arg6[%swap3A_438] {strides = array<i32>} : memref<128xi32, #tpu.memory_space<vmem>>, vector<16xi32>,
    %swap3A_440 = vector.shape_cast %swap3A_439 : vector<16xi32> to vector<16xi32>
    %swap3A_441 = vector.shape_cast %add3A_437 : vector<16xi32> to vector<16xi32>
    tpu.vector_store %arg6[%swap3A_438], %swap3A_441 {strides = array<i32>} : memref<128xi32, #tpu.memory_space<vmem>>, vector<16xi32>,
    %add3A_442 = arith.constant 112 : i32
    %add3A_443 = arith.addi %mul3A_2, %add3A_442 : i32
    %iota3A_444 = tpu.iota {dimensions = array<i32: 0>} : vector<16xi32>
    %add3A_445 = vector.broadcast %add3A_443 : i32 to vector<16xi32>
    %add3A_446 = arith.addi %add3A_445, %iota3A_444 : vector<16xi32>
    %shift_right_arithmetic3A_447 = arith.constant 3 : i32
    %shift_right_arithmetic3A_448 = vector.broadcast %shift_right_arithmetic3A_447 : i32 to vector<16xi32>
    %shift_right_arithmetic3A_449 = arith.shrsi %add3A_446, %shift_right_arithmetic3A_448 : vector<16xi32>
    %mul3A_450 = arith.constant 262144 : i32
    %mul3A_451 = vector.broadcast %mul3A_450 : i32 to vector<16xi32>
    %mul3A_452 = arith.muli %shift_right_arithmetic3A_449, %mul3A_451 : vector<16xi32>
    %and3A_453 = arith.constant 7 : i32
    %and3A_454 = vector.broadcast %and3A_453 : i32 to vector<16xi32>
    %and3A_455 = arith.andi %add3A_446, %and3A_454 : vector<16xi32>
    %mul3A_456 = arith.constant 128 : i32
    %mul3A_457 = vector.broadcast %mul3A_456 : i32 to vector<16xi32>
    %mul3A_458 = arith.muli %and3A_455, %mul3A_457 : vector<16xi32>
    %add3A_459 = arith.addi %mul3A_452, %mul3A_458 : vector<16xi32>
    %swap3A_460 = arith.constant 112 : index
    %swap3A_461 = tpu.vector_load %arg6[%swap3A_460] {strides = array<i32>} : memref<128xi32, #tpu.memory_space<vmem>>, vector<16xi32>,
    %swap3A_462 = vector.shape_cast %swap3A_461 : vector<16xi32> to vector<16xi32>
    %swap3A_463 = vector.shape_cast %add3A_459 : vector<16xi32> to vector<16xi32>
    tpu.vector_store %arg6[%swap3A_460], %swap3A_463 {strides = array<i32>} : memref<128xi32, #tpu.memory_space<vmem>>, vector<16xi32>,
    %dma_start3A_464 = arith.constant 0 : i32
    %dma_start3A_465 = tpu.memref_slice %arg2[%dma_start3A_464] : memref<134217728xf32, #tpu.memory_space<hbm>> -> memref<134217728xf32, #tpu.memory_space<hbm>>
    tpu.enqueue_indirect_dma source(%dma_start3A_465 : memref<134217728xf32, #tpu.memory_space<hbm>>) target(%arg8 : memref<128xf32, #tpu.memory_space<vmem>>) offsets(%arg6 : memref<128xi32, #tpu.memory_space<vmem>>) semaphore(%arg10 : memref<!tpu.dma_semaphore, #tpu.memory_space<semaphore_mem>>)
    %dma_wait3A_466 = arith.constant 0 : i32
    %dma_wait3A_467 = tpu.memref_slice %arg2[%dma_wait3A_466] : memref<134217728xf32, #tpu.memory_space<hbm>> -> memref<134217728xf32, #tpu.memory_space<hbm>>
    tpu.wait_indirect_dma semaphore(%arg10 : memref<!tpu.dma_semaphore, #tpu.memory_space<semaphore_mem>>) src(%dma_wait3A_467 : memref<134217728xf32, #tpu.memory_space<hbm>>) dst(%arg8 : memref<128xf32, #tpu.memory_space<vmem>>)
    %broadcast_in_dim3A = arith.constant 0.000000e+00 : f32
    %broadcast_in_dim3A_468 = vector.broadcast %broadcast_in_dim3A : f32 to vector<16xf32>
    %broadcast_in_dim3A_469 = arith.constant 0.000000e+00 : f32
    %broadcast_in_dim3A_470 = vector.broadcast %broadcast_in_dim3A_469 : f32 to vector<16xf32>
    %broadcast_in_dim3A_471 = arith.constant 0.000000e+00 : f32
    %broadcast_in_dim3A_472 = vector.broadcast %broadcast_in_dim3A_471 : f32 to vector<16xf32>
    %get3A_473 = arith.constant 0 : index
    %get3A_474 = tpu.vector_load %arg5[%get3A_473] {strides = array<i32>} : memref<128xi32, #tpu.memory_space<vmem>>, vector<16xi32>,
    %get3A_475 = vector.shape_cast %get3A_474 : vector<16xi32> to vector<16xi32>
    %ne3A = arith.constant 0 : i32
    %ne3A_476 = vector.broadcast %ne3A : i32 to vector<16xi32>
    %ne3A_477 = arith.cmpi ne, %get3A_475, %ne3A_476 : vector<16xi32>
    %get3A_478 = arith.constant 0 : index
    %get3A_479 = tpu.vector_load %arg7[%get3A_478] {strides = array<i32>} : memref<128xf32, #tpu.memory_space<vmem>>, vector<16xf32>,
    %get3A_480 = vector.shape_cast %get3A_479 : vector<16xf32> to vector<16xf32>
    %jit3A = arith.constant 0.000000e+00 : f32
    %broadcast_in_dim3A_481 = vector.broadcast %jit3A : f32 to vector<16xf32>
    %select_n3A = arith.select %ne3A_477, %get3A_480, %broadcast_in_dim3A_481 : vector<16xi1>, vector<16xf32>
    %add3A_482 = arith.addf %broadcast_in_dim3A_468, %select_n3A : vector<16xf32>
    %get3A_483 = arith.constant 0 : index
    %get3A_484 = tpu.vector_load %arg8[%get3A_483] {strides = array<i32>} : memref<128xf32, #tpu.memory_space<vmem>>, vector<16xf32>,
    %get3A_485 = vector.shape_cast %get3A_484 : vector<16xf32> to vector<16xf32>
    %jit3A_486 = arith.constant 0.000000e+00 : f32
    %broadcast_in_dim3A_487 = vector.broadcast %jit3A_486 : f32 to vector<16xf32>
    %select_n3A_488 = arith.select %ne3A_477, %get3A_485, %broadcast_in_dim3A_487 : vector<16xi1>, vector<16xf32>
    %add3A_489 = arith.addf %broadcast_in_dim3A_470, %select_n3A_488 : vector<16xf32>
    %jit3A_490 = arith.constant 1.000000e+00 : f32
    %jit3A_491 = arith.constant 0.000000e+00 : f32
    %broadcast_in_dim3A_492 = vector.broadcast %jit3A_490 : f32 to vector<16xf32>
    %broadcast_in_dim3A_493 = vector.broadcast %jit3A_491 : f32 to vector<16xf32>
    %select_n3A_494 = arith.select %ne3A_477, %broadcast_in_dim3A_492, %broadcast_in_dim3A_493 : vector<16xi1>, vector<16xf32>
    %add3A_495 = arith.addf %broadcast_in_dim3A_472, %select_n3A_494 : vector<16xf32>
    %get3A_496 = arith.constant 16 : index
    %get3A_497 = tpu.vector_load %arg5[%get3A_496] {strides = array<i32>} : memref<128xi32, #tpu.memory_space<vmem>>, vector<16xi32>,
    %get3A_498 = vector.shape_cast %get3A_497 : vector<16xi32> to vector<16xi32>
    %ne3A_499 = arith.constant 0 : i32
    %ne3A_500 = vector.broadcast %ne3A_499 : i32 to vector<16xi32>
    %ne3A_501 = arith.cmpi ne, %get3A_498, %ne3A_500 : vector<16xi32>
    %get3A_502 = arith.constant 16 : index
    %get3A_503 = tpu.vector_load %arg7[%get3A_502] {strides = array<i32>} : memref<128xf32, #tpu.memory_space<vmem>>, vector<16xf32>,
    %get3A_504 = vector.shape_cast %get3A_503 : vector<16xf32> to vector<16xf32>
    %jit3A_505 = arith.constant 0.000000e+00 : f32
    %broadcast_in_dim3A_506 = vector.broadcast %jit3A_505 : f32 to vector<16xf32>
    %select_n3A_507 = arith.select %ne3A_501, %get3A_504, %broadcast_in_dim3A_506 : vector<16xi1>, vector<16xf32>
    %add3A_508 = arith.addf %add3A_482, %select_n3A_507 : vector<16xf32>
    %get3A_509 = arith.constant 16 : index
    %get3A_510 = tpu.vector_load %arg8[%get3A_509] {strides = array<i32>} : memref<128xf32, #tpu.memory_space<vmem>>, vector<16xf32>,
    %get3A_511 = vector.shape_cast %get3A_510 : vector<16xf32> to vector<16xf32>
    %jit3A_512 = arith.constant 0.000000e+00 : f32
    %broadcast_in_dim3A_513 = vector.broadcast %jit3A_512 : f32 to vector<16xf32>
    %select_n3A_514 = arith.select %ne3A_501, %get3A_511, %broadcast_in_dim3A_513 : vector<16xi1>, vector<16xf32>
    %add3A_515 = arith.addf %add3A_489, %select_n3A_514 : vector<16xf32>
    %jit3A_516 = arith.constant 1.000000e+00 : f32
    %jit3A_517 = arith.constant 0.000000e+00 : f32
    %broadcast_in_dim3A_518 = vector.broadcast %jit3A_516 : f32 to vector<16xf32>
    %broadcast_in_dim3A_519 = vector.broadcast %jit3A_517 : f32 to vector<16xf32>
    %select_n3A_520 = arith.select %ne3A_501, %broadcast_in_dim3A_518, %broadcast_in_dim3A_519 : vector<16xi1>, vector<16xf32>
    %add3A_521 = arith.addf %add3A_495, %select_n3A_520 : vector<16xf32>
    %get3A_522 = arith.constant 32 : index
    %get3A_523 = tpu.vector_load %arg5[%get3A_522] {strides = array<i32>} : memref<128xi32, #tpu.memory_space<vmem>>, vector<16xi32>,
    %get3A_524 = vector.shape_cast %get3A_523 : vector<16xi32> to vector<16xi32>
    %ne3A_525 = arith.constant 0 : i32
    %ne3A_526 = vector.broadcast %ne3A_525 : i32 to vector<16xi32>
    %ne3A_527 = arith.cmpi ne, %get3A_524, %ne3A_526 : vector<16xi32>
    %get3A_528 = arith.constant 32 : index
    %get3A_529 = tpu.vector_load %arg7[%get3A_528] {strides = array<i32>} : memref<128xf32, #tpu.memory_space<vmem>>, vector<16xf32>,
    %get3A_530 = vector.shape_cast %get3A_529 : vector<16xf32> to vector<16xf32>
    %jit3A_531 = arith.constant 0.000000e+00 : f32
    %broadcast_in_dim3A_532 = vector.broadcast %jit3A_531 : f32 to vector<16xf32>
    %select_n3A_533 = arith.select %ne3A_527, %get3A_530, %broadcast_in_dim3A_532 : vector<16xi1>, vector<16xf32>
    %add3A_534 = arith.addf %add3A_508, %select_n3A_533 : vector<16xf32>
    %get3A_535 = arith.constant 32 : index
    %get3A_536 = tpu.vector_load %arg8[%get3A_535] {strides = array<i32>} : memref<128xf32, #tpu.memory_space<vmem>>, vector<16xf32>,
    %get3A_537 = vector.shape_cast %get3A_536 : vector<16xf32> to vector<16xf32>
    %jit3A_538 = arith.constant 0.000000e+00 : f32
    %broadcast_in_dim3A_539 = vector.broadcast %jit3A_538 : f32 to vector<16xf32>
    %select_n3A_540 = arith.select %ne3A_527, %get3A_537, %broadcast_in_dim3A_539 : vector<16xi1>, vector<16xf32>
    %add3A_541 = arith.addf %add3A_515, %select_n3A_540 : vector<16xf32>
    %jit3A_542 = arith.constant 1.000000e+00 : f32
    %jit3A_543 = arith.constant 0.000000e+00 : f32
    %broadcast_in_dim3A_544 = vector.broadcast %jit3A_542 : f32 to vector<16xf32>
    %broadcast_in_dim3A_545 = vector.broadcast %jit3A_543 : f32 to vector<16xf32>
    %select_n3A_546 = arith.select %ne3A_527, %broadcast_in_dim3A_544, %broadcast_in_dim3A_545 : vector<16xi1>, vector<16xf32>
    %add3A_547 = arith.addf %add3A_521, %select_n3A_546 : vector<16xf32>
    %get3A_548 = arith.constant 48 : index
    %get3A_549 = tpu.vector_load %arg5[%get3A_548] {strides = array<i32>} : memref<128xi32, #tpu.memory_space<vmem>>, vector<16xi32>,
    %get3A_550 = vector.shape_cast %get3A_549 : vector<16xi32> to vector<16xi32>
    %ne3A_551 = arith.constant 0 : i32
    %ne3A_552 = vector.broadcast %ne3A_551 : i32 to vector<16xi32>
    %ne3A_553 = arith.cmpi ne, %get3A_550, %ne3A_552 : vector<16xi32>
    %get3A_554 = arith.constant 48 : index
    %get3A_555 = tpu.vector_load %arg7[%get3A_554] {strides = array<i32>} : memref<128xf32, #tpu.memory_space<vmem>>, vector<16xf32>,
    %get3A_556 = vector.shape_cast %get3A_555 : vector<16xf32> to vector<16xf32>
    %jit3A_557 = arith.constant 0.000000e+00 : f32
    %broadcast_in_dim3A_558 = vector.broadcast %jit3A_557 : f32 to vector<16xf32>
    %select_n3A_559 = arith.select %ne3A_553, %get3A_556, %broadcast_in_dim3A_558 : vector<16xi1>, vector<16xf32>
    %add3A_560 = arith.addf %add3A_534, %select_n3A_559 : vector<16xf32>
    %get3A_561 = arith.constant 48 : index
    %get3A_562 = tpu.vector_load %arg8[%get3A_561] {strides = array<i32>} : memref<128xf32, #tpu.memory_space<vmem>>, vector<16xf32>,
    %get3A_563 = vector.shape_cast %get3A_562 : vector<16xf32> to vector<16xf32>
    %jit3A_564 = arith.constant 0.000000e+00 : f32
    %broadcast_in_dim3A_565 = vector.broadcast %jit3A_564 : f32 to vector<16xf32>
    %select_n3A_566 = arith.select %ne3A_553, %get3A_563, %broadcast_in_dim3A_565 : vector<16xi1>, vector<16xf32>
    %add3A_567 = arith.addf %add3A_541, %select_n3A_566 : vector<16xf32>
    %jit3A_568 = arith.constant 1.000000e+00 : f32
    %jit3A_569 = arith.constant 0.000000e+00 : f32
    %broadcast_in_dim3A_570 = vector.broadcast %jit3A_568 : f32 to vector<16xf32>
    %broadcast_in_dim3A_571 = vector.broadcast %jit3A_569 : f32 to vector<16xf32>
    %select_n3A_572 = arith.select %ne3A_553, %broadcast_in_dim3A_570, %broadcast_in_dim3A_571 : vector<16xi1>, vector<16xf32>
    %add3A_573 = arith.addf %add3A_547, %select_n3A_572 : vector<16xf32>
    %get3A_574 = arith.constant 64 : index
    %get3A_575 = tpu.vector_load %arg5[%get3A_574] {strides = array<i32>} : memref<128xi32, #tpu.memory_space<vmem>>, vector<16xi32>,
    %get3A_576 = vector.shape_cast %get3A_575 : vector<16xi32> to vector<16xi32>
    %ne3A_577 = arith.constant 0 : i32
    %ne3A_578 = vector.broadcast %ne3A_577 : i32 to vector<16xi32>
    %ne3A_579 = arith.cmpi ne, %get3A_576, %ne3A_578 : vector<16xi32>
    %get3A_580 = arith.constant 64 : index
    %get3A_581 = tpu.vector_load %arg7[%get3A_580] {strides = array<i32>} : memref<128xf32, #tpu.memory_space<vmem>>, vector<16xf32>,
    %get3A_582 = vector.shape_cast %get3A_581 : vector<16xf32> to vector<16xf32>
    %jit3A_583 = arith.constant 0.000000e+00 : f32
    %broadcast_in_dim3A_584 = vector.broadcast %jit3A_583 : f32 to vector<16xf32>
    %select_n3A_585 = arith.select %ne3A_579, %get3A_582, %broadcast_in_dim3A_584 : vector<16xi1>, vector<16xf32>
    %add3A_586 = arith.addf %add3A_560, %select_n3A_585 : vector<16xf32>
    %get3A_587 = arith.constant 64 : index
    %get3A_588 = tpu.vector_load %arg8[%get3A_587] {strides = array<i32>} : memref<128xf32, #tpu.memory_space<vmem>>, vector<16xf32>,
    %get3A_589 = vector.shape_cast %get3A_588 : vector<16xf32> to vector<16xf32>
    %jit3A_590 = arith.constant 0.000000e+00 : f32
    %broadcast_in_dim3A_591 = vector.broadcast %jit3A_590 : f32 to vector<16xf32>
    %select_n3A_592 = arith.select %ne3A_579, %get3A_589, %broadcast_in_dim3A_591 : vector<16xi1>, vector<16xf32>
    %add3A_593 = arith.addf %add3A_567, %select_n3A_592 : vector<16xf32>
    %jit3A_594 = arith.constant 1.000000e+00 : f32
    %jit3A_595 = arith.constant 0.000000e+00 : f32
    %broadcast_in_dim3A_596 = vector.broadcast %jit3A_594 : f32 to vector<16xf32>
    %broadcast_in_dim3A_597 = vector.broadcast %jit3A_595 : f32 to vector<16xf32>
    %select_n3A_598 = arith.select %ne3A_579, %broadcast_in_dim3A_596, %broadcast_in_dim3A_597 : vector<16xi1>, vector<16xf32>
    %add3A_599 = arith.addf %add3A_573, %select_n3A_598 : vector<16xf32>
    %get3A_600 = arith.constant 80 : index
    %get3A_601 = tpu.vector_load %arg5[%get3A_600] {strides = array<i32>} : memref<128xi32, #tpu.memory_space<vmem>>, vector<16xi32>,
    %get3A_602 = vector.shape_cast %get3A_601 : vector<16xi32> to vector<16xi32>
    %ne3A_603 = arith.constant 0 : i32
    %ne3A_604 = vector.broadcast %ne3A_603 : i32 to vector<16xi32>
    %ne3A_605 = arith.cmpi ne, %get3A_602, %ne3A_604 : vector<16xi32>
    %get3A_606 = arith.constant 80 : index
    %get3A_607 = tpu.vector_load %arg7[%get3A_606] {strides = array<i32>} : memref<128xf32, #tpu.memory_space<vmem>>, vector<16xf32>,
    %get3A_608 = vector.shape_cast %get3A_607 : vector<16xf32> to vector<16xf32>
    %jit3A_609 = arith.constant 0.000000e+00 : f32
    %broadcast_in_dim3A_610 = vector.broadcast %jit3A_609 : f32 to vector<16xf32>
    %select_n3A_611 = arith.select %ne3A_605, %get3A_608, %broadcast_in_dim3A_610 : vector<16xi1>, vector<16xf32>
    %add3A_612 = arith.addf %add3A_586, %select_n3A_611 : vector<16xf32>
    %get3A_613 = arith.constant 80 : index
    %get3A_614 = tpu.vector_load %arg8[%get3A_613] {strides = array<i32>} : memref<128xf32, #tpu.memory_space<vmem>>, vector<16xf32>,
    %get3A_615 = vector.shape_cast %get3A_614 : vector<16xf32> to vector<16xf32>
    %jit3A_616 = arith.constant 0.000000e+00 : f32
    %broadcast_in_dim3A_617 = vector.broadcast %jit3A_616 : f32 to vector<16xf32>
    %select_n3A_618 = arith.select %ne3A_605, %get3A_615, %broadcast_in_dim3A_617 : vector<16xi1>, vector<16xf32>
    %add3A_619 = arith.addf %add3A_593, %select_n3A_618 : vector<16xf32>
    %jit3A_620 = arith.constant 1.000000e+00 : f32
    %jit3A_621 = arith.constant 0.000000e+00 : f32
    %broadcast_in_dim3A_622 = vector.broadcast %jit3A_620 : f32 to vector<16xf32>
    %broadcast_in_dim3A_623 = vector.broadcast %jit3A_621 : f32 to vector<16xf32>
    %select_n3A_624 = arith.select %ne3A_605, %broadcast_in_dim3A_622, %broadcast_in_dim3A_623 : vector<16xi1>, vector<16xf32>
    %add3A_625 = arith.addf %add3A_599, %select_n3A_624 : vector<16xf32>
    %get3A_626 = arith.constant 96 : index
    %get3A_627 = tpu.vector_load %arg5[%get3A_626] {strides = array<i32>} : memref<128xi32, #tpu.memory_space<vmem>>, vector<16xi32>,
    %get3A_628 = vector.shape_cast %get3A_627 : vector<16xi32> to vector<16xi32>
    %ne3A_629 = arith.constant 0 : i32
    %ne3A_630 = vector.broadcast %ne3A_629 : i32 to vector<16xi32>
    %ne3A_631 = arith.cmpi ne, %get3A_628, %ne3A_630 : vector<16xi32>
    %get3A_632 = arith.constant 96 : index
    %get3A_633 = tpu.vector_load %arg7[%get3A_632] {strides = array<i32>} : memref<128xf32, #tpu.memory_space<vmem>>, vector<16xf32>,
    %get3A_634 = vector.shape_cast %get3A_633 : vector<16xf32> to vector<16xf32>
    %jit3A_635 = arith.constant 0.000000e+00 : f32
    %broadcast_in_dim3A_636 = vector.broadcast %jit3A_635 : f32 to vector<16xf32>
    %select_n3A_637 = arith.select %ne3A_631, %get3A_634, %broadcast_in_dim3A_636 : vector<16xi1>, vector<16xf32>
    %add3A_638 = arith.addf %add3A_612, %select_n3A_637 : vector<16xf32>
    %get3A_639 = arith.constant 96 : index
    %get3A_640 = tpu.vector_load %arg8[%get3A_639] {strides = array<i32>} : memref<128xf32, #tpu.memory_space<vmem>>, vector<16xf32>,
    %get3A_641 = vector.shape_cast %get3A_640 : vector<16xf32> to vector<16xf32>
    %jit3A_642 = arith.constant 0.000000e+00 : f32
    %broadcast_in_dim3A_643 = vector.broadcast %jit3A_642 : f32 to vector<16xf32>
    %select_n3A_644 = arith.select %ne3A_631, %get3A_641, %broadcast_in_dim3A_643 : vector<16xi1>, vector<16xf32>
    %add3A_645 = arith.addf %add3A_619, %select_n3A_644 : vector<16xf32>
    %jit3A_646 = arith.constant 1.000000e+00 : f32
    %jit3A_647 = arith.constant 0.000000e+00 : f32
    %broadcast_in_dim3A_648 = vector.broadcast %jit3A_646 : f32 to vector<16xf32>
    %broadcast_in_dim3A_649 = vector.broadcast %jit3A_647 : f32 to vector<16xf32>
    %select_n3A_650 = arith.select %ne3A_631, %broadcast_in_dim3A_648, %broadcast_in_dim3A_649 : vector<16xi1>, vector<16xf32>
    %add3A_651 = arith.addf %add3A_625, %select_n3A_650 : vector<16xf32>
    %get3A_652 = arith.constant 112 : index
    %get3A_653 = tpu.vector_load %arg5[%get3A_652] {strides = array<i32>} : memref<128xi32, #tpu.memory_space<vmem>>, vector<16xi32>,
    %get3A_654 = vector.shape_cast %get3A_653 : vector<16xi32> to vector<16xi32>
    %ne3A_655 = arith.constant 0 : i32
    %ne3A_656 = vector.broadcast %ne3A_655 : i32 to vector<16xi32>
    %ne3A_657 = arith.cmpi ne, %get3A_654, %ne3A_656 : vector<16xi32>
    %get3A_658 = arith.constant 112 : index
    %get3A_659 = tpu.vector_load %arg7[%get3A_658] {strides = array<i32>} : memref<128xf32, #tpu.memory_space<vmem>>, vector<16xf32>,
    %get3A_660 = vector.shape_cast %get3A_659 : vector<16xf32> to vector<16xf32>
    %jit3A_661 = arith.constant 0.000000e+00 : f32
    %broadcast_in_dim3A_662 = vector.broadcast %jit3A_661 : f32 to vector<16xf32>
    %select_n3A_663 = arith.select %ne3A_657, %get3A_660, %broadcast_in_dim3A_662 : vector<16xi1>, vector<16xf32>
    %add3A_664 = arith.addf %add3A_638, %select_n3A_663 : vector<16xf32>
    %get3A_665 = arith.constant 112 : index
    %get3A_666 = tpu.vector_load %arg8[%get3A_665] {strides = array<i32>} : memref<128xf32, #tpu.memory_space<vmem>>, vector<16xf32>,
    %get3A_667 = vector.shape_cast %get3A_666 : vector<16xf32> to vector<16xf32>
    %jit3A_668 = arith.constant 0.000000e+00 : f32
    %broadcast_in_dim3A_669 = vector.broadcast %jit3A_668 : f32 to vector<16xf32>
    %select_n3A_670 = arith.select %ne3A_657, %get3A_667, %broadcast_in_dim3A_669 : vector<16xi1>, vector<16xf32>
    %add3A_671 = arith.addf %add3A_645, %select_n3A_670 : vector<16xf32>
    %jit3A_672 = arith.constant 1.000000e+00 : f32
    %jit3A_673 = arith.constant 0.000000e+00 : f32
    %broadcast_in_dim3A_674 = vector.broadcast %jit3A_672 : f32 to vector<16xf32>
    %broadcast_in_dim3A_675 = vector.broadcast %jit3A_673 : f32 to vector<16xf32>
    %select_n3A_676 = arith.select %ne3A_657, %broadcast_in_dim3A_674, %broadcast_in_dim3A_675 : vector<16xi1>, vector<16xf32>
    %add3A_677 = arith.addf %add3A_651, %select_n3A_676 : vector<16xf32>
    %swap3A_678 = arith.constant 0 : index
    %swap3A_679 = tpu.vector_load %arg9[%swap3A_678] {strides = array<i32>} : memref<64xf32, #tpu.memory_space<vmem>>, vector<16xf32>,
    %swap3A_680 = vector.shape_cast %swap3A_679 : vector<16xf32> to vector<16xf32>
    %swap3A_681 = vector.shape_cast %add3A_664 : vector<16xf32> to vector<16xf32>
    tpu.vector_store %arg9[%swap3A_678], %swap3A_681 {strides = array<i32>} : memref<64xf32, #tpu.memory_space<vmem>>, vector<16xf32>,
    %swap3A_682 = arith.constant 16 : index
    %swap3A_683 = tpu.vector_load %arg9[%swap3A_682] {strides = array<i32>} : memref<64xf32, #tpu.memory_space<vmem>>, vector<16xf32>,
    %swap3A_684 = vector.shape_cast %swap3A_683 : vector<16xf32> to vector<16xf32>
    %swap3A_685 = vector.shape_cast %add3A_671 : vector<16xf32> to vector<16xf32>
    tpu.vector_store %arg9[%swap3A_682], %swap3A_685 {strides = array<i32>} : memref<64xf32, #tpu.memory_space<vmem>>, vector<16xf32>,
    %swap3A_686 = arith.constant 32 : index
    %swap3A_687 = tpu.vector_load %arg9[%swap3A_686] {strides = array<i32>} : memref<64xf32, #tpu.memory_space<vmem>>, vector<16xf32>,
    %swap3A_688 = vector.shape_cast %swap3A_687 : vector<16xf32> to vector<16xf32>
    %swap3A_689 = vector.shape_cast %add3A_677 : vector<16xf32> to vector<16xf32>
    tpu.vector_store %arg9[%swap3A_686], %swap3A_689 {strides = array<i32>} : memref<64xf32, #tpu.memory_space<vmem>>, vector<16xf32>,
    %broadcast_in_dim3A_690 = arith.constant 0.000000e+00 : f32
    %broadcast_in_dim3A_691 = vector.broadcast %broadcast_in_dim3A_690 : f32 to vector<16xf32>
    %swap3A_692 = arith.constant 48 : index
    %swap3A_693 = tpu.vector_load %arg9[%swap3A_692] {strides = array<i32>} : memref<64xf32, #tpu.memory_space<vmem>>, vector<16xf32>,
    %swap3A_694 = vector.shape_cast %swap3A_693 : vector<16xf32> to vector<16xf32>
    %swap3A_695 = vector.shape_cast %broadcast_in_dim3A_691 : vector<16xf32> to vector<16xf32>
    tpu.vector_store %arg9[%swap3A_692], %swap3A_695 {strides = array<i32>} : memref<64xf32, #tpu.memory_space<vmem>>, vector<16xf32>,
    "tpu.region"() ({
      %run_scoped3A = tpu.sem_alloc : memref<!tpu.dma_semaphore, #tpu.memory_space<semaphore_mem>>
      %dma_start3A_696 = arith.constant 0 : i32
      %dma_start3A_697 = tpu.memref_slice %arg4[%add3A, %dma_start3A_696] : memref<32x64xf32, #tpu.memory_space<hbm>> -> memref<1x64xf32, #tpu.memory_space<hbm>>
      %dma_start3A_698 = tpu.memref_squeeze %dma_start3A_697 : memref<1x64xf32, #tpu.memory_space<hbm>> -> memref<64xf32, #tpu.memory_space<hbm>>
      %dma_start3A_699 = arith.constant 0 : i32
      %dma_start3A_700 = tpu.memref_slice %arg4[%add3A, %dma_start3A_699] : memref<32x64xf32, #tpu.memory_space<hbm>> -> memref<1x64xf32, #tpu.memory_space<hbm>>
      %dma_start3A_701 = tpu.memref_squeeze %dma_start3A_700 : memref<1x64xf32, #tpu.memory_space<hbm>> -> memref<64xf32, #tpu.memory_space<hbm>>
      tpu.enqueue_dma source(%arg9 : memref<64xf32, #tpu.memory_space<vmem>>) target(%dma_start3A_701 : memref<64xf32, #tpu.memory_space<hbm>>) target_semaphore(%run_scoped3A : memref<!tpu.dma_semaphore, #tpu.memory_space<semaphore_mem>>)
      %dma_wait3A_702 = arith.constant 0 : i32
      %dma_wait3A_703 = tpu.memref_slice %arg4[%add3A, %dma_wait3A_702] : memref<32x64xf32, #tpu.memory_space<hbm>> -> memref<1x64xf32, #tpu.memory_space<hbm>>
      %dma_wait3A_704 = tpu.memref_squeeze %dma_wait3A_703 : memref<1x64xf32, #tpu.memory_space<hbm>> -> memref<64xf32, #tpu.memory_space<hbm>>
      %dma_wait3A_705 = arith.constant 0 : i32
      %dma_wait3A_706 = tpu.memref_slice %arg4[%add3A, %dma_wait3A_705] : memref<32x64xf32, #tpu.memory_space<hbm>> -> memref<1x64xf32, #tpu.memory_space<hbm>>
      %dma_wait3A_707 = tpu.memref_squeeze %dma_wait3A_706 : memref<1x64xf32, #tpu.memory_space<hbm>> -> memref<64xf32, #tpu.memory_space<hbm>>
      tpu.wait_dma2 semaphore(%run_scoped3A : memref<!tpu.dma_semaphore, #tpu.memory_space<semaphore_mem>>) src(%arg9 : memref<64xf32, #tpu.memory_space<vmem>>) dst(%dma_wait3A_707 : memref<64xf32, #tpu.memory_space<hbm>>)
      tpu.yield
    }) : () -> ()
    return
  }
}

module attributes {stable_mosaic.version = 14 : i64} {
  func.func @_combine_body(%arg0: memref<1xf32, #tpu.memory_space<smem>>, %arg1: memref<32x64xf32, #tpu.memory_space<vmem>>, %arg2: memref<1xf32, #tpu.memory_space<smem>>) attributes {dimension_semantics = [], scalar_prefetch = 0 : i64, scratch_operands = 0 : i64, tpu.core_type = #tpu.core_type<tc>} {
    %get3A = arith.constant 0 : index
    %get3A_0 = arith.constant 0 : index
    %get3A_1 = vector.load %arg1[%get3A, %get3A_0] : memref<32x64xf32, #tpu.memory_space<vmem>>, vector<32x64xf32>
    %slice3A = vector.extract_strided_slice %get3A_1 {offsets = [0, 0], sizes = [32, 16], strides = [1, 1]} : vector<32x64xf32> to vector<32x16xf32>
    %reduce_sum3A = vector.shape_cast %slice3A : vector<32x16xf32> to vector<1x32x16xf32>
    %reduce_sum3A_2 = arith.constant dense<0.000000e+00> : vector<1xf32>
    %reduce_sum3A_3 = vector.multi_reduction <add>, %reduce_sum3A, %reduce_sum3A_2 [1, 2] : vector<1x32x16xf32> to vector<1xf32>
    %reduce_sum3A_4 = vector.shape_cast %reduce_sum3A_3 : vector<1xf32> to vector<1x1x1xf32>
    %reduce_sum3A_5 = vector.extract %reduce_sum3A_4[0, 0, 0] : f32 from vector<1x1x1xf32>
    %slice3A_6 = vector.extract_strided_slice %get3A_1 {offsets = [0, 16], sizes = [32, 16], strides = [1, 1]} : vector<32x64xf32> to vector<32x16xf32>
    %reduce_sum3A_7 = vector.shape_cast %slice3A_6 : vector<32x16xf32> to vector<1x32x16xf32>
    %reduce_sum3A_8 = arith.constant dense<0.000000e+00> : vector<1xf32>
    %reduce_sum3A_9 = vector.multi_reduction <add>, %reduce_sum3A_7, %reduce_sum3A_8 [1, 2] : vector<1x32x16xf32> to vector<1xf32>
    %reduce_sum3A_10 = vector.shape_cast %reduce_sum3A_9 : vector<1xf32> to vector<1x1x1xf32>
    %reduce_sum3A_11 = vector.extract %reduce_sum3A_10[0, 0, 0] : f32 from vector<1x1x1xf32>
    %slice3A_12 = vector.extract_strided_slice %get3A_1 {offsets = [0, 32], sizes = [32, 16], strides = [1, 1]} : vector<32x64xf32> to vector<32x16xf32>
    %reduce_sum3A_13 = vector.shape_cast %slice3A_12 : vector<32x16xf32> to vector<1x32x16xf32>
    %reduce_sum3A_14 = arith.constant dense<0.000000e+00> : vector<1xf32>
    %reduce_sum3A_15 = vector.multi_reduction <add>, %reduce_sum3A_13, %reduce_sum3A_14 [1, 2] : vector<1x32x16xf32> to vector<1xf32>
    %reduce_sum3A_16 = vector.shape_cast %reduce_sum3A_15 : vector<1xf32> to vector<1x1x1xf32>
    %reduce_sum3A_17 = vector.extract %reduce_sum3A_16[0, 0, 0] : f32 from vector<1x1x1xf32>
    %mul3A = arith.constant -1.36479759 : f32
    %mul3A_18 = arith.mulf %reduce_sum3A_17, %mul3A : f32
    %get3A_19 = arith.constant 0 : index
    %get3A_20 = memref.load %arg0[%get3A_19] : memref<1xf32, #tpu.memory_space<smem>>
    %sub3A = arith.subf %get3A_20, %reduce_sum3A_11 : f32
    %mul3A_21 = arith.constant 3.05194408E-6 : f32
    %mul3A_22 = arith.mulf %mul3A_21, %sub3A : f32
    %sub3A_23 = arith.subf %mul3A_18, %mul3A_22 : f32
    %mul3A_24 = arith.constant 0.899996936 : f32
    %mul3A_25 = arith.mulf %mul3A_24, %reduce_sum3A_5 : f32
    %sub3A_26 = arith.subf %sub3A_23, %mul3A_25 : f32
    %swap3A = arith.constant 0 : index
    %swap3A_27 = memref.load %arg2[%swap3A] : memref<1xf32, #tpu.memory_space<smem>>
    memref.store %sub3A_26, %arg2[%swap3A] : memref<1xf32, #tpu.memory_space<smem>>
    return
  }
}

module attributes {stable_mosaic.version = 14 : i64} {
  func.func @_tc_body(%arg0: i32, %arg1: i32, %arg2: memref<128x1xi32, #tpu.memory_space<vmem>>, %arg3: memref<128x32768xf32, #tpu.memory_space<vmem>>, %arg4: memref<1xf32, #tpu.memory_space<smem>>, %arg5: memref<1xf32, #tpu.memory_space<smem>>) attributes {dimension_semantics = [#tpu.dimension_semantics<arbitrary>, #tpu.dimension_semantics<arbitrary>], iteration_bounds = array<i64: 32, 1>, scalar_prefetch = 0 : i64, scratch_operands = 1 : i64, tpu.core_type = #tpu.core_type<tc>, window_params = [{transform_indices = @transform_0, window_bounds = array<i64: 128, 1>}, {transform_indices = @transform_1, window_bounds = array<i64: 128, 32768>}, {transform_indices = @transform_2, window_bounds = array<i64: 1>}]} {
    %eq3A = arith.constant 0 : i32
    %eq3A_0 = arith.cmpi eq, %arg0, %eq3A : i32
    %eq3A_1 = arith.constant 0 : i32
    %eq3A_2 = arith.cmpi eq, %arg1, %eq3A_1 : i32
    %and3A = arith.andi %eq3A_0, %eq3A_2 : i1
    %convert_element_type3A = arith.extui %and3A : i1 to i32
    %cond3A = arith.constant 0 : i32
    %cond3A_3 = arith.cmpi ne, %convert_element_type3A, %cond3A : i32
    scf.if %cond3A_3 {
      %swap3A_30 = arith.constant 0.000000e+00 : f32
      %swap3A_31 = arith.constant 0 : index
      %swap3A_32 = memref.load %arg5[%swap3A_31] : memref<1xf32, #tpu.memory_space<smem>>
      memref.store %swap3A_30, %arg5[%swap3A_31] : memref<1xf32, #tpu.memory_space<smem>>
    } else {
    }
    %get3A = arith.constant 0 : index
    %get3A_4 = arith.constant 0 : index
    %get3A_5 = vector.load %arg2[%get3A, %get3A_4] : memref<128x1xi32, #tpu.memory_space<vmem>>, vector<128x1xi32>
    %ne3A = arith.constant 0 : i32
    %ne3A_6 = vector.broadcast %ne3A : i32 to vector<128x1xi32>
    %ne3A_7 = arith.cmpi ne, %get3A_5, %ne3A_6 : vector<128x1xi32>
    %convert_element_type3A_8 = arith.extui %ne3A_7 : vector<128x1xi1> to vector<128x1xi32>
    %convert_element_type3A_9 = arith.sitofp %convert_element_type3A_8 : vector<128x1xi32> to vector<128x1xf32>
    %get3A_10 = arith.constant 0 : index
    %get3A_11 = arith.constant 0 : index
    %get3A_12 = vector.load %arg3[%get3A_10, %get3A_11] : memref<128x32768xf32, #tpu.memory_space<vmem>>, vector<128x32768xf32>
    %reduce_sum3A = arith.constant dense<0.000000e+00> : vector<128xf32>
    %reduce_sum3A_13 = vector.multi_reduction <add>, %get3A_12, %reduce_sum3A [1] : vector<128x32768xf32> to vector<128xf32>
    %broadcast_in_dim3A = vector.shape_cast %reduce_sum3A_13 : vector<128xf32> to vector<128x1xf32>
    %get3A_14 = arith.constant 0 : index
    %get3A_15 = memref.load %arg5[%get3A_14] : memref<1xf32, #tpu.memory_space<smem>>
    %mul3A = arith.mulf %broadcast_in_dim3A, %convert_element_type3A_9 : vector<128x1xf32>
    %reduce_sum3A_16 = vector.shape_cast %mul3A : vector<128x1xf32> to vector<1x128x1xf32>
    %reduce_sum3A_17 = arith.constant dense<0.000000e+00> : vector<1xf32>
    %reduce_sum3A_18 = vector.multi_reduction <add>, %reduce_sum3A_16, %reduce_sum3A_17 [1, 2] : vector<1x128x1xf32> to vector<1xf32>
    %reduce_sum3A_19 = vector.shape_cast %reduce_sum3A_18 : vector<1xf32> to vector<1x1x1xf32>
    %reduce_sum3A_20 = vector.extract %reduce_sum3A_19[0, 0, 0] : f32 from vector<1x1x1xf32>
    %add3A = arith.addf %get3A_15, %reduce_sum3A_20 : f32
    %swap3A = arith.constant 0 : index
    %swap3A_21 = memref.load %arg5[%swap3A] : memref<1xf32, #tpu.memory_space<smem>>
    memref.store %add3A, %arg5[%swap3A] : memref<1xf32, #tpu.memory_space<smem>>
    %eq3A_22 = arith.constant 31 : i32
    %eq3A_23 = arith.cmpi eq, %arg0, %eq3A_22 : i32
    %eq3A_24 = arith.constant 0 : i32
    %eq3A_25 = arith.cmpi eq, %arg1, %eq3A_24 : i32
    %and3A_26 = arith.andi %eq3A_23, %eq3A_25 : i1
    %convert_element_type3A_27 = arith.extui %and3A_26 : i1 to i32
    %cond3A_28 = arith.constant 0 : i32
    %cond3A_29 = arith.cmpi ne, %convert_element_type3A_27, %cond3A_28 : i32
    scf.if %cond3A_29 {
      %get3A_30 = arith.constant 0 : index
      %get3A_31 = memref.load %arg5[%get3A_30] : memref<1xf32, #tpu.memory_space<smem>>
      %swap3A_32 = arith.constant 0 : index
      %swap3A_33 = memref.load %arg4[%swap3A_32] : memref<1xf32, #tpu.memory_space<smem>>
      memref.store %get3A_31, %arg4[%swap3A_32] : memref<1xf32, #tpu.memory_space<smem>>
    } else {
    }
    return
  }
  func.func @transform_0(%arg0: i32, %arg1: i32) -> (i32, i32) {
    %c0_i32 = arith.constant 0 : i32
    %c0_i32_0 = arith.constant 0 : i32
    return %arg0, %c0_i32 : i32, i32
  }
  func.func @transform_1(%arg0: i32, %arg1: i32) -> (i32, i32) {
    %c0_i32 = arith.constant 0 : i32
    return %arg0, %arg1 : i32, i32
  }
  func.func @transform_2(%arg0: i32, %arg1: i32) -> i32 {
    %c0_i32 = arith.constant 0 : i32
    %c0_i32_0 = arith.constant 0 : i32
    return %c0_i32 : i32
  }
}

</mosaic_0001>

<sc_bundles>
// kernel: _loss.5.cloned.1.call-start
scs
__scs_entry_jumppad:
0x0: {  	(pc) =	sbr.rel $0x88, $3  }
0x1: {  	(tag) =	ssettag $0x0;
	lr =	simm.s32 $0x1  }
0x2: {  	[smem:$0x3F9F] =	sst lr;
	_ =	strace $0xD0000000  }
0x3: {  	_ = 	snop  }
0x4: {  	_ = 	snop  }
0x5: {  	_ = 	snop  }
0x6: {  	_ = 	snop  }
0x7: {  	_ = 	snop  }
__scs_overlays_trampoline_lowered:
0x8: {  	[smem:$0x3FAE] =	sst s0  }
0x9: {  	[smem:$0x3FAF] =	sst s1  }
0xa: {  	[smem:$0x3FB0] =	sst s2  }
0xb: {  	[smem:$0x3FB1] =	sst s3  }
0xc: {  	[smem:$0x3FB2] =	sst s4  }
0xd: {  	[smem:$0x3FB3] =	sst s5  }
0xe: {  	[smem:$0x3FB4] =	sst s6  }
0xf: {  	[smem:$0x3FB5] =	sst s7  }
0x10: {  	[smem:$0x3FB6] =	sst s8  }
0x11: {  	[smem:$0x3FB7] =	sst s9;
	s0 =	simm.s32 @!p0 $0x0  }
0x12: {  	s1 =	sld [smem:$0x3F9D];
	s0 =	simm.s32 @p0 $0x1  }
0x13: {  	[smem:$0x3FB8] =	sst s0;
	s0 =	simm.s32 @!p1 $0x0  }
0x14: {  	s2 =	sld [smem:$0x3F9C];
	s0 =	simm.s32 @p1 $0x1  }
0x15: {  	[smem:$0x3FB9] =	sst s0;
	s0 =	simm.s32 @!p2 $0x0  }
0x16: {  	s3 =	sld [smem:$0x3FDB];
	s0 =	simm.s32 @p2 $0x1  }
0x17: {  	s4 =	simm.s32 $0x1BF5;
	[smem:$0x3FBB] =	sst s0  }
0x18: {  	s0 =	sld [smem:$0x3F9E];
	_ =	swait.ge [sflag:s4], $0x0  }
0x19: {  	s7 =	sld [smem:$0x3F9F]  }
0x1a: {  	s8 =	sadd.s32 $0xFFFFE003, lr  }
0x1b: {  	s9 =	sadd.s32 $0xFFFFFEF7, lr;
	s5 =	simm.s32 $0xFFFFFFFF;
	p2 =	slt.u32 s8, $0xFFFFF086  }
0x1c: {  	p1 =	slt.u32 s9, $0xF7A;
	s5 =	simm.s32 @!p2 $0x0  }
0x1d: {  	s5 =	simm.s32 @p1 $0x1;
	p0 =	seq.s32 s7, s2  }
0x1e: {  	s7 =	smul.u32 @!p0 $0xF7A, s2;
	p2 =	seq.s32 @!p0 s5, $0x0  }
0x1f: {  	s9 =	smul.u32 $0xF7A, s1;
	s8 =	simm.s32 @!p0 $0x1BF5;
	p2 =	por !p2, p0  }
0x20: {  	[sflag:s8] =	ssyncset.s32 @!p0 $0xFFFFF086;
	s6 =	sadd.s32 @!p0 s3, s7;
	s7 =	simm.s32 @!p0 $0x108  }
0x21: {  	s3 =	sadd.s32 s3, s9;
	s6 =	sadd.s32 @!p0 $0x88, s6;
	s7 =	simm.s32 @p2 $0x1082  }
0x22: {  	[simem:s7], [sflag:s8] =	dma.local @!p0 [hbm:s6], $0xF7A  }
0x23: {  	s9 =	sor.u32 $0xD0000000, s2;
	s6 =	simm.s32 $0x108;
	_ =	swait.ge @!p0 [sflag:s8], $0x0  }
0x24: {  	s3 =	sadd.s32 $0x88, s3;
	s6 =	simm.s32 @!p1 $0x1082;
	[sflag:s4] =	ssyncset.s32 $0xFFFFF086  }
0x25: {  	[simem:s6], [sflag:s4] =	dma.local [hbm:s3], $0xF7A  }
0x26: {  	[smem:$0x3F9F] =	sst s1;
	(tag) =	ssettag s2;
	_ =	strace s9  }
0x27: {  	s1 =	sld [smem:$0x3FAF]  }
0x28: {  	s2 =	sld [smem:$0x3FB0]  }
0x29: {  	s4 =	sld [smem:$0x3FB2]  }
0x2a: {  	p0 =	seq.s32 s5, $0x0;
	s5 =	sld [smem:$0x3FB3]  }
0x2b: {  	s6 =	sld [smem:$0x3FB4]  }
0x2c: {  	s7 =	sld [smem:$0x3FB5]  }
0x2d: {  	s3 =	simm.s32 $0x108;
	s8 =	sld [smem:$0x3FB6]  }
0x2e: {  	s3 =	simm.s32 @!p0 $0x1082;
	s9 =	sld [smem:$0x3FB7]  }
0x2f: {  	lr =	sadd.s32 s0, s3;
	s0 =	sld [smem:$0x3FAE]  }
0x30: {  	s3 =	sld [smem:$0x3FB1]  }
0x31: {  	[smem:$0x3FBA] =	sst s10  }
0x32: {  	s10 =	sld [smem:$0x3FB8];
	_ =	sdelay $0x3  }
0x33: {  	p0 =	seq.s32 s10, $0x1;
	s10 =	sld [smem:$0x3FBA];
	_ =	sdelay $0x3  }
0x34: {  	[smem:$0x3FBA] =	sst s10  }
0x35: {  	s10 =	sld [smem:$0x3FB9];
	_ =	sdelay $0x3  }
0x36: {  	p1 =	seq.s32 s10, $0x1;
	s10 =	sld [smem:$0x3FBA];
	_ =	sdelay $0x3  }
0x37: {  	[smem:$0x3FBA] =	sst s10  }
0x38: {  	s10 =	sld [smem:$0x3FBB]  }
0x39: {  	_ = 	snop;
	(pc) =	sbr.ind lr, $3  }
0x3a: {  	_ = 	snop  }
0x3b: {  	_ = 	snop  }
0x3c: {  	p2 =	seq.s32 s10, $0x1;
	s10 =	sld [smem:$0x3FBA]  }
0x3d: {  	_ =	shalt  }
0x3e: {  	_ =	shalt  }
0x3f: {  	_ =	shalt  }
0x40: {  	_ =	shalt  }
0x41: {  	_ =	shalt  }
0x42: {  	_ =	shalt  }
0x43: {  	_ =	shalt  }
0x44: {  	_ =	shalt  }
0x45: {  	_ =	shalt  }
0x46: {  	_ =	shalt  }
0x47: {  	_ =	shalt  }
0x48: {  	_ =	shalt  }
0x49: {  	_ =	shalt  }
0x4a: {  	_ =	shalt  }
0x4b: {  	_ =	shalt  }
0x4c: {  	_ =	shalt  }
0x4d: {  	_ =	shalt  }
0x4e: {  	_ =	shalt  }
0x4f: {  	_ =	shalt  }
0x50: {  	_ =	shalt  }
0x51: {  	_ =	shalt  }
0x52: {  	_ =	shalt  }
0x53: {  	_ =	shalt  }
0x54: {  	_ =	shalt  }
0x55: {  	_ =	shalt  }
0x56: {  	_ =	shalt  }
0x57: {  	_ =	shalt  }
0x58: {  	_ =	shalt  }
0x59: {  	_ =	shalt  }
0x5a: {  	_ =	shalt  }
0x5b: {  	_ =	shalt  }
0x5c: {  	_ =	shalt  }
0x5d: {  	_ =	shalt  }
0x5e: {  	_ =	shalt  }
0x5f: {  	_ =	shalt  }
0x60: {  	_ =	shalt  }
0x61: {  	_ =	shalt  }
0x62: {  	_ =	shalt  }
0x63: {  	_ =	shalt  }
0x64: {  	_ =	shalt  }
0x65: {  	_ =	shalt  }
0x66: {  	_ =	shalt  }
0x67: {  	_ =	shalt  }
0x68: {  	_ =	shalt  }
0x69: {  	_ =	shalt  }
0x6a: {  	_ =	shalt  }
0x6b: {  	_ =	shalt  }
0x6c: {  	_ =	shalt  }
0x6d: {  	_ =	shalt  }
0x6e: {  	_ =	shalt  }
0x6f: {  	_ =	shalt  }
0x70: {  	_ =	shalt  }
0x71: {  	_ =	shalt  }
0x72: {  	_ =	shalt  }
0x73: {  	_ =	shalt  }
0x74: {  	_ =	shalt  }
0x75: {  	_ =	shalt  }
0x76: {  	_ =	shalt  }
0x77: {  	_ =	shalt  }
0x78: {  	_ =	shalt  }
0x79: {  	_ =	shalt  }
0x7a: {  	_ =	shalt  }
0x7b: {  	_ =	shalt  }
0x7c: {  	_ =	shalt  }
0x7d: {  	_ =	shalt  }
0x7e: {  	_ =	shalt  }
0x7f: {  	_ =	shalt  }
0x80: {  	_ =	shalt  }
0x81: {  	_ =	shalt  }
0x82: {  	_ =	shalt  }
0x83: {  	_ =	shalt  }
0x84: {  	_ =	shalt  }
0x85: {  	_ =	shalt  }
0x86: {  	_ =	shalt  }
0x87: {  	_ =	shalt  }
.Lfunc_end0:
.L_simem_size_0:
called_computation_lowered:
.L_overlay_start_0:
0x88: {  	s2 =	sld [smem:$0x3FD9]  }
0x89: {  	s3 =	sld [smem:$0x3FFE];
	_ =	sdelay $0x1  }
0x8a: {  	s1 =	srdreg.scid  }
0x8b: {  	s0 =	sand.u32 $0x1, s1  }
0x8c: {  	s17 =	sshll.u32 s0, $0xA;
	s2 =	sadd.s32 s3, s2  }
0x8d: {  	s2 =	sadd.s32 s2, s17  }
0x8e: {  	[smem:$0x3FC6] =	sst s2  }
0x8f: {  	_ = 	snop  }
0x90: {  	s2 =	sld [smem:$0x3FC9]  }
0x91: {  	s18 =	sld [smem:$0x3FC8];
	(tm) =	ssettm $0x1  }
0x92: {  	s4 =	sld [smem:$0x3FFB];
	_ =	sdelay $0x3  }
0x93: {  	_ =	strace s4  }
0x94: {  	s4 =	sld [smem:$0x3FFC];
	_ =	sdelay $0x3  }
0x95: {  	_ =	strace s4  }
0x96: {  	s4 =	sld [smem:$0x3FFD];
	_ =	sdelay $0x3  }
0x97: {  	_ =	strace s4  }
0x98: {  	_ =	strace $0x8FFFFFFF  }
0x99: {  	s19 =	sld [smem:$0x3FDB];
	_ =	sdelay $0x1  }
0x9a: {  	s5 =	simm.s32 $_scs_section_size  }
0x9b: {  	s6 =	simm.s32 $_size__tile_overlayer_lowered;
	s7 =	simm.s32 $_tile_overlayer_lowered  }
0x9c: {  	s22 =	simm.s32 $0x1BFF;
	s21 =	sshll.u32 s7, $0x1;
	s4 =	sadd.s32 s5, s19  }
0x9d: {  	s8 =	simm.s32 $0x0;
	s20 =	sshll.u32 s6, $0x1;
	s6 =	sadd.s32 s21, s4  }
0x9e: {  	[timem:s8], [sflag:s22] =	dma.local [hbm:s6], s20  }
0x9f: {  	_ =	swait.ge [sflag:s22], s20  }
0xa0: {  	s5 =	ssub.s32 $0x0, s20;
	[sflag:s22] =	ssyncset.done $0x0  }
0xa1: {  	[sflag:s22] =	ssyncadd.s32 s5;
	_ =	sdelay $0x1  }
0xa2: {  	s23 =	simm.s32 $0x1B8B  }
0xa3: {  	_ =	swait.ge [sflag:s23], $0x1  }
0xa4: {  	[sflag:s23] =	ssyncset.done $0x0  }
0xa5: {  	s25 =	simm.s32 $0x1B8E;
	s24 =	sld [smem:$0x3FFE];
	[sflag:s23] =	ssyncadd.s32 $0xFFFFFFFF  }
0xa6: {  	s26 =	simm.s32 $execute0_lowered;
	[smem:$0x3FD2] =	sst s25  }
0xa7: {  	s6 =	sshll.u32 s26, $0x1;
	_ =	strace $0x80000046;
	[dreg:$0x1] =	wrdreg $0xFFFFFFFF  }
0xa8: {  	s28 =	simm.s32 $_size_execute0_lowered;
	s4 =	sadd.s32 s4, s6;
	[dreg:$0x0] =	wrdreg $0x0  }
0xa9: {  	s6 =	sshll.u32 s28, $0x1;
	[dreg:$0x2] =	wrdreg s4  }
0xaa: {  	[dreg:$0x3] =	wrdreg s6  }
0xab: {  	[dreg:$0x4] =	wrdreg $0xC0  }
0xac: {  	_ =	task [dreg:s8], $0x5FFFF  }
0xad: {  	[dreg:$0x1] =	wrdreg $0xFFFFFFFF  }
0xae: {  	[dreg:$0x0] =	wrdreg $0x60  }
0xaf: {  	[dreg:$0x2] =	wrdreg s2  }
0xb0: {  	[dreg:$0x3] =	wrdreg s18  }
0xb1: {  	[dreg:$0x4] =	wrdreg s24  }
0xb2: {  	[dreg:$0x5] =	wrdreg $0x9  }
0xb3: {  	_ =	task.clear_ibuf [dreg:s8], $0x6FFFF;
	_ =	strace $0x90000046  }
0xb4: {  	s29 =	simm.s32 $0x9;
	_ =	strace $0x80000048  }
0xb5: {  	_ =	swait.ge [sflag:s29], $0x1  }
0xb6: {  	[sflag:s29] =	ssyncadd.s32 $0xFFFFFFFF  }
0xb7: {  	_ =	strace $0x90000048  }
0xb8: {  	_ =	sfence  }
0xb9: {  	s30 =	sld [smem:$0x0];
	_ =	sdelay $0x2  }
0xba: {  	s31 =	sshll.u32 s1, $0xD;
	s1 =	sshrl.u32 s1, $0x2  }
0xbb: {  	s3 =	sand.u32 $0x4000, s31;
	s1 =	sadd.s32 s1, s30  }
0xbc: {  	s0 =	sor.u32 s3, s0;
	s1 =	sshll.u32 s1, $0x11  }
0xbd: {  	s0 =	sor.u32 s1, s0  }
0xbe: {  	s0 =	sadd.s32 $0x8F2B, s0  }
0xbf: {  	[sflag:s0] =	ssyncadd.remote.s32 $0x1  }
0xc0: {  	_ =	sfence.sel $0xFFFF  }
0xc1: {  	[dreg:$0x0] =	wrdreg $0xFFFFFFFF;
	(pc) =	sbr.abs _section_cstart, $3  }
0xc2: {  	[dreg:$0x1] =	wrdreg $0xFFFFFFFF  }
0xc3: {  	_ =	task.clear_ibuf [dreg:s8], $0x2FFFF;
	_ =	strace $0x9FFFFFFF  }
0xc4: {  	(tm) =	ssettm $0x7FFFFFFF  }
0xc5: {  	_ =	shalt  }
tec
execute0_lowered:
.L_overlay_start_1:
0x0: {  	(tag) =	ssettag $0x1  }
0x1: {  	s1 =	srdreg.scid  }
0x2: {  	s0 =	stileid.u32;
	s4 =	rddreg [dreg:$0x0]  }
0x3: {  	s5 =	rddreg [dreg:$0x1];
	s7 =	sand.u32 $0x1, s1;
	s28 =	sshll.u32 s0, $0x1  }
0x4: {  	v0 =	vlaneseq.u32;
	s6 =	rddreg [dreg:$0x2];
	s3 =	sor.u32 s7, s28  }
0x5: {  	s2 =	simm.s32 $0x0;
	v5 =	vmul.u32 $0x8000, v0;
	s1 =	rddreg [dreg:$0x3];
	v0 =	vand.u32 $0x7, v0;
	s8 =	sshll.u32 s3, $0x7  }
0x6: {  	[smem:$0x7FF] =	sst s2;
	v7 =	vmul.u32 $0x80, v0;
	s29 =	sor.u32 $0x10, s8;
	v1 =	vmov s8;
	s10 =	sor.u32 $0x30, s8  }
0x7: {  	s11 =	sor.u32 $0x40, s8;
	s30 =	sor.u32 $0x50, s8;
	s31 =	sor.u32 $0x60, s8;
	v2 =	vmov s29;
	v1 =	vshll.u32 v1, $0xF;
	v3 =	vmov s10  }
0x8: {  	s12 =	sshll.u32 s3, $0x4;
	s9 =	sor.u32 $0x20, s8;
	s8 =	sor.u32 $0x70, s8;
	v4 =	vmov s11;
	v6 =	vmov s30;
	v9 =	vmov s31  }
0x9: {  	_ =	strace $0x80000047;
	s3 =	simm.s32 $0x2;
	s5 =	sadd.s32 s5, s12;
	v10 =	vmov s8;
	v2 =	vshll.u32 v2, $0xF;
	v1 =	vor.u32 v5, v1  }
0xa: {  	[tilespmem:s2], [sflag:$0x2] =	stream.linear.gather [hbm4b:s5+s2], $0x80, $0x38;
	v3 =	vshll.u32 v3, $0xF;
	v4 =	vshll.u32 v4, $0xF;
	v6 =	vshll.u32 v6, $0xF;
	[tilespmem:$0x280] =	vst v63  }
0xb: {  	_ =	swait.ge [sflag:s3], $0x80;
	v9 =	vshll.u32 v9, $0xF;
	v10 =	vshll.u32 v10, $0xF;
	v0 =	vor.u32 v5, v2  }
0xc: {  	v1 =	vand.u32 $0x7FC40000, v1;
	v3 =	vor.u32 v5, v3;
	v4 =	vor.u32 v5, v4;
	[sflag:s3] =	ssyncset.done $0x0  }
0xd: {  	v6 =	vor.u32 v5, v6;
	v9 =	vor.u32 v5, v9;
	v2 =	vand.u32 $0xFFCC0000, v0;
	[sflag:s3] =	ssyncadd.s32 $0xFFFFFF80  }
0xe: {  	v0 =	vor.u32 v7, v1;
	v3 =	vand.u32 $0xFFDC0000, v3;
	v4 =	vand.u32 $0xFFE40000, v4;
	v8 =	vld [tilespmem:$0x70]  }
0xf: {  	v6 =	vand.u32 $0xFFEC0000, v6;
	v1 =	vor.u32 v7, v2;
	v2 =	vmov s9;
	v11 =	vld [tilespmem:$0x60]  }
0x10: {  	v9 =	vand.u32 $0xFFF40000, v9;
	v3 =	vor.u32 v7, v3;
	v12 =	vld [tilespmem:$0x10];
	v2 =	vshll.u32 v2, $0xF  }
0x11: {  	v4 =	vor.u32 v7, v4;
	v2 =	vor.u32 v5, v2;
	v5 =	vor.u32 v5, v10  }
0x12: {  	v2 =	vand.u32 $0xFFD40000, v2;
	v10 =	vand.u32 $0xFFFC0000, v5;
	v5 =	vor.u32 v7, v6  }
0x13: {  	v13 =	vld [tilespmem:$0x0];
	v6 =	vor.u32 v7, v9;
	v2 =	vor.u32 v7, v2;
	v7 =	vor.u32 v7, v10  }
0x14: {  	v9 =	vld [tilespmem:$0x20];
	v10 =	vshll.u32 v8, $0x3;
	v8 =	vand.u32 $0x7F, v8;
	v14 =	vshll.u32 v11, $0x3  }
0x15: {  	v11 =	vand.u32 $0x7F, v11;
	v16 =	vand.u32 $0x7F, v12;
	v12 =	vshll.u32 v12, $0x3  }
0x16: {  	v15 =	vld [tilespmem:$0x30];
	v10 =	vand.u32 $0xFFFFFC00, v10;
	v14 =	vand.u32 $0xFFFFFC00, v14;
	v12 =	vand.u32 $0xFFFFFC00, v12  }
0x17: {  	v17 =	vld [tilespmem:$0x50];
	v10 =	vadd.s32 v7, v10;
	v14 =	vadd.s32 v6, v14;
	v12 =	vadd.s32 v1, v12  }
0x18: {  	v8 =	vor.u32 v8, v10;
	v10 =	vshll.u32 v13, $0x3;
	v11 =	vor.u32 v11, v14  }
0x19: {  	v14 =	vld [tilespmem:$0x40];
	v13 =	vand.u32 $0x7F, v13;
	v18 =	vand.u32 $0x7F, v9;
	v10 =	vand.u32 $0xFFFFFC00, v10  }
0x1a: {  	v12 =	vor.u32 v16, v12;
	v9 =	vshll.u32 v9, $0x3;
	v10 =	vadd.s32 v0, v10  }
0x1b: {  	[tilespmem:$0xF0] =	vst v8;
	v9 =	vand.u32 $0xFFFFFC00, v9;
	v10 =	vor.u32 v13, v10;
	v13 =	vshll.u32 v15, $0x3  }
0x1c: {  	v8 =	vand.u32 $0x7F, v17;
	[tilespmem:$0xE0] =	vst v11;
	v9 =	vadd.s32 v2, v9;
	v13 =	vand.u32 $0xFFFFFC00, v13  }
0x1d: {  	[tilespmem:$0x80] =	vst v10;
	v10 =	vshll.u32 v17, $0x3;
	v11 =	vadd.s32 v3, v13;
	v13 =	vand.u32 $0x7F, v15  }
0x1e: {  	[tilespmem:$0x90] =	vst v12;
	v12 =	vshll.u32 v14, $0x3;
	v10 =	vand.u32 $0xFFFFFC00, v10;
	v11 =	vor.u32 v13, v11  }
0x1f: {  	v9 =	vor.u32 v18, v9;
	v10 =	vadd.s32 v5, v10;
	[tilespmem:$0xB0] =	vst v11;
	v11 =	vand.u32 $0xFFFFFC00, v12  }
0x20: {  	[tilespmem:$0xA0] =	vst v9;
	v12 =	vand.u32 $0x7F, v14;
	v8 =	vor.u32 v8, v10;
	v11 =	vadd.s32 v4, v11  }
0x21: {  	[tilespmem:$0xD0] =	vst v8;
	v9 =	vor.u32 v12, v11  }
0x22: {  	s8 =	simm.s32 $0x80;
	s10 =	simm.s32 $0x1;
	s9 =	simm.s32 $0x100;
	[tilespmem:$0xC0] =	vst v9  }
0x23: {  	[tilespmem:s9], [sflag:$0x1] =	stream.indirect.gather [hbm4b:s4+s8], $0x1, s8, s8, $0xb8;
	[tilespmem:$0x280] =	vst v63  }
0x24: {  	_ =	swait.ge [sflag:s10], $0x80  }
0x25: {  	[sflag:s10] =	ssyncset.done $0x0  }
0x26: {  	[sflag:s10] =	ssyncadd.s32 $0xFFFFFF80  }
0x27: {  	[tilespmem:$0x80] =	vst v0  }
0x28: {  	[tilespmem:$0x90] =	vst v1  }
0x29: {  	[tilespmem:$0xE0] =	vst v6  }
0x2a: {  	[tilespmem:$0xB0] =	vst v3  }
0x2b: {  	[tilespmem:$0xC0] =	vst v4  }
0x2c: {  	[tilespmem:$0xD0] =	vst v5  }
0x2d: {  	[tilespmem:$0xF0] =	vst v7  }
0x2e: {  	s11 =	simm.s32 $0x180;
	[tilespmem:$0xA0] =	vst v2  }
0x2f: {  	[tilespmem:s11], [sflag:$0x1] =	stream.indirect.gather [hbm4b:s4+s8], $0x1, s8, s8, $0xb8;
	[tilespmem:$0x280] =	vst v63  }
0x30: {  	s7 =	ssub.s32 $0x2, s7;
	_ =	swait.ge [sflag:s10], $0x80  }
0x31: {  	s13 =	sshrl.u32 s7, $0x1;
	[sflag:s10] =	ssyncset.done $0x0  }
0x32: {  	s7 =	ssub.s32 s7, s13;
	[sflag:s10] =	ssyncadd.s32 $0xFFFFFF80  }
0x33: {  	s13 =	smax.u32 s7, $0x1;
	v11 =	vld [tilespmem:$0x120]  }
0x34: {  	p0 =	sne.s32 s13, $0x1;
	v12 =	vld [tilespmem:$0x1A0]  }
.Ltmp0:
0x35: {  	v10 =	vld [tilespmem:$0x190];
	(pc) =	sbr.rel @!p0 .LBB2_2-.Ltmp0, $4  }
0x36: {  	v13 =	vld [tilespmem:$0x110]  }
0x37: {  	v14 =	vld [tilespmem:$0x180]  }
0x38: {  	s6 =	sadd.s32 s12, s6;
	v9 =	vimm.f32 $0.0e+00;
	v15 =	vld [tilespmem:$0x20]  }
0x39: {  	s6 =	sadd.s32 $0x800, s6;
	s7 =	simm.s32 $0x200;
	s12 =	sadd.s32 $0xFFFFFFFF, s13;
	v8 =	vimm.f32 $1.000000000e+00;
	[tilespmem:$0x230] =	vst v9;
	v16 =	vld [tilespmem:$0x0]  }
.LBB2_1:
0x3a: {  	p0 =	sne.s32 s12, $0x1;
	s12 =	sadd.s32 $0xFFFFFFFF, s12;
	v17 =	vld [tilespmem:$0x100]  }
0x3b: {  	v18 =	vld [tilespmem:$0x10]  }
0x3c: {  	v19 =	vld [tilespmem:$0x30]  }
0x3d: {  	vm0 =	veq.s32 v15, $0x0;
	v15 =	vld [tilespmem:$0x40]  }
0x3e: {  	v14 =	vadd.f32 $0.0e+00, v14;
	v20 =	vld [tilespmem:$0x50]  }
0x3f: {  	vm1 =	veq.s32 v16, $0x0;
	v16 =	vadd.f32 $0.0e+00, v17;
	v17 =	vld [tilespmem:$0x60]  }
0x40: {  	v14 =	vsel vm1, $0x0, v14;
	vm2 =	veq.s32 v18, $0x0;
	v18 =	vld [tilespmem:$0x70]  }
0x41: {  	v21 =	vsel vm1, $0x0, v8;
	v13 =	vsel vm2, $0x0, v13;
	v22 =	vsel vm2, $0x0, v8;
	v23 =	vld [tilespmem:$0x1B0]  }
0x42: {  	v11 =	vsel vm0, $0x0, v11;
	v12 =	vsel vm0, $0x0, v12;
	vm3 =	veq.s32 v19, $0x0;
	v19 =	vld [tilespmem:$0x130]  }
0x43: {  	v24 =	vsel vm0, $0x0, v8;
	v16 =	vsel vm1, $0x0, v16;
	v10 =	vsel vm2, $0x0, v10;
	v25 =	vld [tilespmem:$0x1C0]  }
0x44: {  	v13 =	vadd.f32 v13, v16;
	v16 =	vadd.f32 v22, v21;
	v21 =	vld [tilespmem:$0x140];
	vm0 =	veq.s32 v17, $0x0  }
0x45: {  	v10 =	vadd.f32 v10, v14;
	vm1 =	veq.s32 v15, $0x0;
	vm2 =	veq.s32 v20, $0x0;
	v14 =	vld [tilespmem:$0x1D0]  }
0x46: {  	v11 =	vadd.f32 v11, v13;
	v13 =	vadd.f32 v24, v16;
	v15 =	vsel vm3, $0x0, v23;
	v16 =	vld [tilespmem:$0x150]  }
0x47: {  	v10 =	vadd.f32 v12, v10;
	v17 =	vsel vm3, $0x0, v8;
	v12 =	vsel vm3, $0x0, v19  }
0x48: {  	v11 =	vadd.f32 v12, v11;
	v12 =	vadd.f32 v17, v13;
	v13 =	vsel vm1, $0x0, v25;
	v17 =	vld [tilespmem:$0x160]  }
0x49: {  	v10 =	vadd.f32 v15, v10;
	v19 =	vsel vm1, $0x0, v8;
	v15 =	vsel vm1, $0x0, v21;
	v20 =	vld [tilespmem:$0x1E0]  }
0x4a: {  	v11 =	vadd.f32 v15, v11;
	v12 =	vadd.f32 v19, v12;
	v14 =	vsel vm2, $0x0, v14;
	v15 =	vld [tilespmem:$0x170]  }
0x4b: {  	v10 =	vadd.f32 v13, v10;
	v13 =	vsel vm2, $0x0, v16;
	v16 =	vsel vm2, $0x0, v8;
	v19 =	vld [tilespmem:$0x1F0]  }
0x4c: {  	vm1 =	veq.s32 v18, $0x0;
	v11 =	vadd.f32 v13, v11;
	v12 =	vadd.f32 v16, v12  }
0x4d: {  	v10 =	vadd.f32 v14, v10;
	v14 =	vsel vm0, $0x0, v8;
	v13 =	vsel vm0, $0x0, v17  }
0x4e: {  	v11 =	vadd.f32 v13, v11;
	v13 =	vsel vm0, $0x0, v20;
	v12 =	vadd.f32 v14, v12  }
0x4f: {  	v14 =	vsel vm1, $0x0, v8;
	v10 =	vadd.f32 v13, v10;
	v13 =	vsel vm1, $0x0, v15  }
0x50: {  	v11 =	vadd.f32 v13, v11;
	v13 =	vsel vm1, $0x0, v19;
	v12 =	vadd.f32 v14, v12  }
0x51: {  	v10 =	vadd.f32 v13, v10  }
0x52: {  	[tilespmem:$0x200] =	vst v11  }
0x53: {  	[tilespmem:$0x210] =	vst v10  }
0x54: {  	[tilespmem:$0x220] =	vst v12  }
0x55: {  	[hbm4b:s6+s2] =	stream.linear.scatter [tilespmem:s7], [sflag:$0x2], $0x80, $0x38;
	[tilespmem:$0x280] =	vst v63  }
0x56: {  	_ =	swait.ge [sflag:s3], $0x80  }
0x57: {  	[sflag:s3] =	ssyncset.done $0x0  }
0x58: {  	[sflag:s3] =	ssyncadd.s32 $0xFFFFFF80  }
0x59: {  	[tilespmem:s2], [sflag:$0x2] =	stream.linear.gather [hbm4b:s5+s2], $0x80, $0x38;
	[tilespmem:$0x280] =	vst v63  }
0x5a: {  	_ =	swait.ge [sflag:s3], $0x80  }
0x5b: {  	[sflag:s3] =	ssyncset.done $0x0  }
0x5c: {  	[sflag:s3] =	ssyncadd.s32 $0xFFFFFF80  }
0x5d: {  	v10 =	vld [tilespmem:$0x70]  }
0x5e: {  	v11 =	vld [tilespmem:$0x60]  }
0x5f: {  	v12 =	vld [tilespmem:$0x10]  }
0x60: {  	v13 =	vld [tilespmem:$0x0]  }
0x61: {  	v14 =	vld [tilespmem:$0x40]  }
0x62: {  	v15 =	vld [tilespmem:$0x20];
	v16 =	vshll.u32 v10, $0x3;
	v10 =	vand.u32 $0x7F, v10  }
0x63: {  	v17 =	vld [tilespmem:$0x30];
	v18 =	vshll.u32 v11, $0x3;
	v11 =	vand.u32 $0x7F, v11;
	v16 =	vand.u32 $0xFFFFFC00, v16  }
0x64: {  	v19 =	vand.u32 $0x7F, v12;
	v20 =	vld [tilespmem:$0x50];
	v18 =	vand.u32 $0xFFFFFC00, v18;
	v16 =	vadd.s32 v7, v16  }
0x65: {  	v12 =	vshll.u32 v12, $0x3;
	v18 =	vadd.s32 v6, v18;
	v10 =	vor.u32 v10, v16  }
0x66: {  	v16 =	vshll.u32 v13, $0x3;
	v12 =	vand.u32 $0xFFFFFC00, v12;
	v11 =	vor.u32 v11, v18;
	[tilespmem:$0xF0] =	vst v10  }
0x67: {  	v13 =	vand.u32 $0x7F, v13;
	v10 =	vand.u32 $0xFFFFFC00, v16;
	v12 =	vadd.s32 v1, v12  }
0x68: {  	v18 =	vand.u32 $0x7F, v14;
	v10 =	vadd.s32 v0, v10;
	v16 =	vand.u32 $0x7F, v15;
	[tilespmem:$0xE0] =	vst v11  }
0x69: {  	v10 =	vor.u32 v13, v10;
	v11 =	vshll.u32 v17, $0x3;
	v13 =	vand.u32 $0x7F, v20  }
0x6a: {  	v11 =	vand.u32 $0xFFFFFC00, v11;
	[tilespmem:$0x80] =	vst v10;
	v10 =	vor.u32 v19, v12;
	v12 =	vshll.u32 v20, $0x3  }
0x6b: {  	v11 =	vadd.s32 v3, v11;
	[tilespmem:$0x90] =	vst v10;
	v10 =	vshll.u32 v15, $0x3;
	v15 =	vand.u32 $0x7F, v17  }
0x6c: {  	v14 =	vshll.u32 v14, $0x3;
	v10 =	vand.u32 $0xFFFFFC00, v10;
	v11 =	vor.u32 v15, v11  }
0x6d: {  	v12 =	vand.u32 $0xFFFFFC00, v12;
	v10 =	vadd.s32 v2, v10;
	[tilespmem:$0xB0] =	vst v11;
	v11 =	vand.u32 $0xFFFFFC00, v14  }
0x6e: {  	v12 =	vadd.s32 v5, v12;
	v10 =	vor.u32 v16, v10;
	v11 =	vadd.s32 v4, v11  }
0x6f: {  	[tilespmem:$0xA0] =	vst v10;
	v10 =	vor.u32 v18, v11;
	v11 =	vor.u32 v13, v12  }
0x70: {  	[tilespmem:$0xD0] =	vst v11  }
0x71: {  	[tilespmem:$0xC0] =	vst v10  }
0x72: {  	[tilespmem:s9], [sflag:$0x1] =	stream.indirect.gather [hbm4b:s4+s8], $0x1, s8, s8, $0xb8;
	[tilespmem:$0x280] =	vst v63  }
0x73: {  	_ =	swait.ge [sflag:s10], $0x80  }
0x74: {  	[sflag:s10] =	ssyncset.done $0x0  }
0x75: {  	[sflag:s10] =	ssyncadd.s32 $0xFFFFFF80  }
0x76: {  	[tilespmem:$0x80] =	vst v0  }
0x77: {  	[tilespmem:$0x90] =	vst v1  }
0x78: {  	[tilespmem:$0xE0] =	vst v6  }
0x79: {  	[tilespmem:$0xB0] =	vst v3  }
0x7a: {  	[tilespmem:$0xC0] =	vst v4  }
0x7b: {  	[tilespmem:$0xD0] =	vst v5  }
0x7c: {  	[tilespmem:$0xF0] =	vst v7;
	_ =	sdelay $0x1  }
0x7d: {  	[tilespmem:$0xA0] =	vst v2  }
0x7e: {  	[tilespmem:s11], [sflag:$0x1] =	stream.indirect.gather [hbm4b:s4+s8], $0x1, s8, s8, $0xb8;
	[tilespmem:$0x280] =	vst v63  }
0x7f: {  	_ =	swait.ge [sflag:s10], $0x80  }
0x80: {  	[sflag:s10] =	ssyncset.done $0x0  }
0x81: {  	[sflag:s10] =	ssyncadd.s32 $0xFFFFFF80  }
0x82: {  	v11 =	vld [tilespmem:$0x120];
	[tilespmem:$0x230] =	vst v9  }
0x83: {  	v12 =	vld [tilespmem:$0x1A0]  }
.Ltmp1:
0x84: {  	v10 =	vld [tilespmem:$0x190];
	(pc) =	sbr.rel @p0 .LBB2_1-.Ltmp1, $4  }
0x85: {  	v13 =	vld [tilespmem:$0x110]  }
0x86: {  	v14 =	vld [tilespmem:$0x180]  }
0x87: {  	v15 =	vld [tilespmem:$0x20]  }
0x88: {  	v16 =	vld [tilespmem:$0x0]  }
.LBB2_2:
0x89: {  	v0 =	vld [tilespmem:$0x100]  }
0x8a: {  	v1 =	vld [tilespmem:$0x10]  }
0x8b: {  	v2 =	vld [tilespmem:$0x30]  }
0x8c: {  	v6 =	vld [tilespmem:$0x60]  }
0x8d: {  	v3 =	vld [tilespmem:$0x40];
	vm0 =	veq.s32 v15, $0x0  }
0x8e: {  	v5 =	vld [tilespmem:$0x50];
	v4 =	vadd.f32 $0.0e+00, v14;
	vm1 =	veq.s32 v16, $0x0;
	v11 =	vsel vm0, $0x0, v11  }
0x8f: {  	v34 =	vld [tilespmem:$0x70];
	v12 =	vsel vm0, $0x0, v12;
	v39 =	vsel vm0, $0x0, v8;
	v0 =	vadd.f32 $0.0e+00, v0  }
0x90: {  	v37 =	vld [tilespmem:$0x1B0];
	v4 =	vsel vm1, $0x0, v4;
	vm2 =	veq.s32 v1, $0x0;
	v7 =	vsel vm1, $0x0, v8  }
0x91: {  	v36 =	vld [tilespmem:$0x130];
	vm3 =	veq.s32 v2, $0x0;
	vm12 =	veq.s32 v6, $0x0;
	v38 =	vsel vm2, $0x0, v10  }
0x92: {  	v41 =	vld [tilespmem:$0x1C0];
	vm13 =	veq.s32 v3, $0x0;
	v35 =	vsel vm2, $0x0, v8;
	v2 =	vadd.f32 v38, v4  }
0x93: {  	v40 =	vld [tilespmem:$0x140];
	v9 =	vsel vm2, $0x0, v13;
	v0 =	vsel vm1, $0x0, v0;
	v7 =	vadd.f32 v35, v7  }
0x94: {  	v43 =	vld [tilespmem:$0x1D0];
	vm14 =	veq.s32 v5, $0x0;
	v0 =	vadd.f32 v9, v0;
	v2 =	vadd.f32 v12, v2  }
0x95: {  	v42 =	vld [tilespmem:$0x150];
	vm15 =	veq.s32 v34, $0x0;
	v46 =	vsel vm3, $0x0, v37;
	v44 =	vadd.f32 v39, v7  }
0x96: {  	v50 =	vld [tilespmem:$0x1E0];
	v47 =	vsel vm3, $0x0, v8;
	v0 =	vadd.f32 v11, v0;
	v2 =	vadd.f32 v46, v2  }
0x97: {  	v48 =	vld [tilespmem:$0x160];
	v45 =	vsel vm3, $0x0, v36;
	v51 =	vsel vm13, $0x0, v41;
	v5 =	vadd.f32 v47, v44  }
0x98: {  	v54 =	vld [tilespmem:$0x1F0];
	v52 =	vsel vm13, $0x0, v8;
	v0 =	vadd.f32 v45, v0;
	v2 =	vadd.f32 v51, v2  }
0x99: {  	v49 =	vsel vm13, $0x0, v40;
	v4 =	vsel vm14, $0x0, v43;
	v5 =	vadd.f32 v52, v5  }
0x9a: {  	v53 =	vld [tilespmem:$0x170];
	v55 =	vsel vm14, $0x0, v8;
	v0 =	vadd.f32 v49, v0;
	v2 =	vadd.f32 v4, v2  }
0x9b: {  	v3 =	vsel vm14, $0x0, v42;
	v58 =	vsel vm12, $0x0, v50;
	v56 =	vadd.f32 v55, v5  }
0x9c: {  	v59 =	vsel vm12, $0x0, v8;
	v0 =	vadd.f32 v3, v0;
	v1 =	vadd.f32 v58, v2  }
0x9d: {  	v57 =	vsel vm12, $0x0, v48;
	v61 =	vsel vm15, $0x0, v54;
	v3 =	vadd.f32 v59, v56  }
0x9e: {  	v62 =	vsel vm15, $0x0, v8;
	v0 =	vadd.f32 v57, v0;
	v1 =	vadd.f32 v61, v1  }
0x9f: {  	v60 =	vsel vm15, $0x0, v53;
	v63 =	vadd.f32 v62, v3  }
0xa0: {  	v0 =	vadd.f32 v60, v0;
	[tilespmem:$0x210] =	vst v1  }
0xa1: {  	[tilespmem:$0x220] =	vst v63  }
0xa2: {  	[tilespmem:$0x200] =	vst v0  }
0xa3: {  	[hbm4b:s6+s2] =	stream.linear.scatter [tilespmem:s7], [sflag:$0x2], $0x80, $0x38;
	[tilespmem:$0x280] =	vst v63  }
0xa4: {  	_ =	swait.ge [sflag:s3], $0x80  }
0xa5: {  	[sflag:s3] =	ssyncset.done $0x0  }
0xa6: {  	[sflag:s3] =	ssyncadd.s32 $0xFFFFFF80  }
0xa7: {  	_ =	sfence.sel $0x180000  }
0xa8: {  	[bflag:$0x0] =	sbarrier.arrive $0xFFFF  }
0xa9: {  	p0 =	sne.s32 s0, $0x0;
	_ =	strace $0x90000047  }
0xaa: {  	s0 =	sadd.s32 @!p0 $0x100000, s1;
	[bflag:$0x2] =	sbarrier.arrive $0xFFFF  }
0xab: {  	[sflag:s0] =	ssyncadd.tile.s32 @!p0 $0x1;
	_ =	shalt  }
.Lfunc_end2:
_tile_overlayer_lowered:
.L_overlay_start_2:
0xac: {  	(tag) =	ssettag $0x2  }
0xad: {  	s0 =	rddreg [dreg:$0x0];
	s2 =	stileid.u32  }
0xae: {  	s1 =	rddreg [dreg:$0x1];
	p0 =	sne.s32 s2, $0x0  }
0xaf: {  	s3 =	rddreg [dreg:$0x2];
	[bflag:$0x3] =	sbarrier.arrive $0xFFFF;
	s2 =	simm.s32 @!p0 $0x1C02  }
0xb0: {  	[timem:s3], [sflag:s2] =	dma.local @!p0 [hbm:s0], s1  }
0xb1: {  	s0 =	simm.s32 @!p0 $0x2  }
0xb2: {  	_ =	swait.ge @!p0 [sflag:s0], s1  }
0xb3: {  	s1 =	ssub.s32 @!p0 $0x0, s1;
	[sflag:s0] =	ssyncset.done @!p0 $0x0  }
0xb4: {  	[sflag:s0] =	ssyncadd.s32 @!p0 s1  }
0xb5: {  	[bflag:$0x3] =	sbarrier.arrive $0xFFFF  }
0xb6: {  	_ =	shalt  }

</sc_bundles>
